<compile_context>
chip_gen: v7x
topology: tpu7x:2x2x1
jax: 0.10.2.dev20260603
libtpu: 0.0.44.dev20260713+nightly
codegen_flags: <defaults>
</compile_context>

<pallas_src>
import functools

import jax
import jax.numpy as jnp
from jax import lax
from jax.experimental import pallas as pl
from jax.experimental.pallas import tpu as pltpu
from jax.experimental.pallas import tpu_sc as plsc

N = 10000
E = 320000
D = 128
NCLS = 10

NC = 2
NS = 16
NW = NC * NS

CHUNK = 128
CPT = 80
NCHUNKS = NW * CPT
EPAD = NCHUNKS * CHUNK
DUMMY = N

BLK = 1024
NPAD = 10240
RPT = NPAD // NS
GRID = NPAD // BLK

_mesh = plsc.VectorSubcoreMesh(core_axis_name="c", subcore_axis_name="s")


def _sc_agg_deg_body(h_hbm, src_hbm, dst_hbm, z2_hbm, z1_hbm,
                     out_hbm, deg_hbm,
                     srcb, dstb, rows, onesb, acc, degacc):
    c = lax.axis_index("c")
    s = lax.axis_index("s")
    wid = c * NS + s
    pltpu.sync_copy(z2_hbm.at[pl.ds(s * RPT, RPT)], acc.at[pl.ds(s * RPT, RPT)])
    pltpu.sync_copy(z1_hbm.at[pl.ds(s * RPT, RPT)], degacc.at[pl.ds(s * RPT, RPT)])
    for i in range(CHUNK // 16):
        onesb[pl.ds(i * 16, 16)] = jnp.ones((16,), jnp.float32)
    pltpu.sync_copy(src_hbm.at[pl.ds(wid * CPT * CHUNK, CPT * CHUNK)], srcb)
    pltpu.sync_copy(dst_hbm.at[pl.ds(wid * CPT, CPT)], dstb)
    plsc.subcore_barrier()

    def step(j, carry):
        pltpu.sync_copy(h_hbm.at[srcb.at[pl.ds(j * CHUNK, CHUNK)]], rows)
        pltpu.sync_copy(rows, acc.at[dstb.at[j]], add=True)
        pltpu.sync_copy(onesb, degacc.at[dstb.at[j]], add=True)
        return carry

    lax.fori_loop(0, CPT, step, 0)
    plsc.subcore_barrier()
    pltpu.sync_copy(acc.at[pl.ds(s * RPT, RPT)],
                    out_hbm.at[pl.ds(c * NPAD + s * RPT, RPT)])
    pltpu.sync_copy(degacc.at[pl.ds(s * RPT, RPT)],
                    deg_hbm.at[pl.ds(c * NPAD + s * RPT, RPT)])


def _sc_agg_body(h_hbm, src_hbm, dst_hbm, z2_hbm,
                 out_hbm,
                 srcb, dstb, rows, acc):
    c = lax.axis_index("c")
    s = lax.axis_index("s")
    wid = c * NS + s
    pltpu.sync_copy(z2_hbm.at[pl.ds(s * RPT, RPT)], acc.at[pl.ds(s * RPT, RPT)])
    pltpu.sync_copy(src_hbm.at[pl.ds(wid * CPT * CHUNK, CPT * CHUNK)], srcb)
    pltpu.sync_copy(dst_hbm.at[pl.ds(wid * CPT, CPT)], dstb)
    plsc.subcore_barrier()

    def step(j, carry):
        pltpu.sync_copy(h_hbm.at[srcb.at[pl.ds(j * CHUNK, CHUNK)]], rows)
        pltpu.sync_copy(rows, acc.at[dstb.at[j]], add=True)
        return carry

    lax.fori_loop(0, CPT, step, 0)
    plsc.subcore_barrier()
    pltpu.sync_copy(acc.at[pl.ds(s * RPT, RPT)],
                    out_hbm.at[pl.ds(c * NPAD + s * RPT, RPT)])


_sc_agg_deg = pl.kernel(
    _sc_agg_deg_body,
    out_type=(jax.ShapeDtypeStruct((NC * NPAD, D), jnp.float32),
              jax.ShapeDtypeStruct((NC * NPAD,), jnp.float32)),
    mesh=_mesh,
    scratch_types=[
        pltpu.VMEM((CPT * CHUNK,), jnp.int32),
        pltpu.VMEM((CPT, CHUNK), jnp.int32),
        pltpu.VMEM((CHUNK, D), jnp.float32),
        pltpu.VMEM((CHUNK,), jnp.float32),
        pltpu.VMEM_SHARED((NPAD, D), jnp.float32),
        pltpu.VMEM_SHARED((NPAD,), jnp.float32),
    ],
)

_sc_agg = pl.kernel(
    _sc_agg_body,
    out_type=jax.ShapeDtypeStruct((NC * NPAD, D), jnp.float32),
    mesh=_mesh,
    scratch_types=[
        pltpu.VMEM((CPT * CHUNK,), jnp.int32),
        pltpu.VMEM((CPT, CHUNK), jnp.int32),
        pltpu.VMEM((CHUNK, D), jnp.float32),
        pltpu.VMEM_SHARED((NPAD, D), jnp.float32),
    ],
)


def _combine_body(h_ref, s0_ref, s1_ref, d0_ref, d1_ref,
                  ws_ref, wn_ref, b_ref, o_ref, *, readout):
    deg = d0_ref[...] + d1_ref[...]
    inv = 1.0 / jnp.maximum(deg, 1.0)
    hn = (s0_ref[...] + s1_ref[...]) * inv
    acc = jnp.dot(h_ref[...], ws_ref[...], preferred_element_type=jnp.float32)
    acc = acc + jnp.dot(hn, wn_ref[...], preferred_element_type=jnp.float32)
    out = jnp.maximum(acc + b_ref[...], 0.0)
    if readout:
        rid = pl.program_id(0) * BLK + lax.broadcasted_iota(jnp.int32, (BLK, 1), 0)
        out = jnp.where(rid < N, out, 0.0)
        o_ref[...] = jnp.sum(out, axis=0, keepdims=True)[None]
    else:
        o_ref[...] = out


def _combine(h, s_all, deg_col, Ws, Wn, b, readout=False):
    nb = GRID
    in_specs = [
        pl.BlockSpec((BLK, D), lambda i: (i, 0)),
        pl.BlockSpec((BLK, D), lambda i: (i, 0)),
        pl.BlockSpec((BLK, D), lambda i: (i + nb, 0)),
        pl.BlockSpec((BLK, 1), lambda i: (i, 0)),
        pl.BlockSpec((BLK, 1), lambda i: (i + nb, 0)),
        pl.BlockSpec((D, D), lambda i: (0, 0)),
        pl.BlockSpec((D, D), lambda i: (0, 0)),
        pl.BlockSpec((1, D), lambda i: (0, 0)),
    ]
    if readout:
        out_shape = jax.ShapeDtypeStruct((GRID, 1, D), jnp.float32)
        out_spec = pl.BlockSpec((1, 1, D), lambda i: (i, 0, 0))
    else:
        out_shape = jax.ShapeDtypeStruct((NPAD, D), jnp.float32)
        out_spec = pl.BlockSpec((BLK, D), lambda i: (i, 0))
    return pl.pallas_call(
        functools.partial(_combine_body, readout=readout),
        grid=(GRID,),
        in_specs=in_specs,
        out_specs=out_spec,
        out_shape=out_shape,
    )(h, s_all, s_all, deg_col, deg_col, Ws, Wn, b)


def _readout_body(ps_ref, wc_ref, bc_ref, o_ref):
    total = jnp.sum(ps_ref[...], axis=0) * (1.0 / N)
    o_ref[...] = jnp.dot(total, wc_ref[...],
                         preferred_element_type=jnp.float32) + bc_ref[...]


def _readout(parts, Wc, bc):
    return pl.pallas_call(
        _readout_body,
        out_shape=jax.ShapeDtypeStruct((1, NCLS), jnp.float32),
    )(parts, Wc, bc)


def kernel(x, edge_index, W_self0, W_neigh0, b0, W_self1, W_neigh1, b1,
           W_self2, W_neigh2, b2, W_cls, b_cls):
    src = edge_index[0].astype(jnp.int32)
    dst = edge_index[1].astype(jnp.int32)
    src_p = jnp.concatenate([src, jnp.zeros((EPAD - E,), jnp.int32)])
    dst_p = jnp.concatenate([dst, jnp.full((EPAD - E,), DUMMY, jnp.int32)])
    dst2d = dst_p.reshape(NCHUNKS, CHUNK)
    z2 = jnp.zeros((NPAD, D), jnp.float32)
    z1 = jnp.zeros((NPAD,), jnp.float32)

    h = jnp.pad(x, ((0, NPAD - N), (0, 0)))
    s_all, deg_all = _sc_agg_deg(h, src_p, dst2d, z2, z1)
    deg_col = deg_all.reshape(-1, 1)
    h = _combine(h, s_all, deg_col, W_self0, W_neigh0, b0.reshape(1, D))
    s_all = _sc_agg(h, src_p, dst2d, z2)
    h = _combine(h, s_all, deg_col, W_self1, W_neigh1, b1.reshape(1, D))
    s_all = _sc_agg(h, src_p, dst2d, z2)
    parts = _combine(h, s_all, deg_col, W_self2, W_neigh2, b2.reshape(1, D),
                     readout=True)
    return _readout(parts, W_cls, b_cls.reshape(1, NCLS))

# --- scband reference (transcript-rebuilt; emitter-appended) ---
"""Pipeline reference for scband-classifier-58540404244987 (READ-ONLY COPY).

The authoritative reference and input builder live on the scoring server;
editing this copy changes nothing except your own understanding.
"""

import jax, jax.numpy as jnp
import numpy as np

N = 10000
E = 320000
D_IN = 128
D_H = 128
N_CLASSES = 10
N_LAYERS = 3  # 1 input layer + hidden_layers=2


def setup_inputs(seed: int = 0) -> dict:
    key = jax.random.key(seed)
    ks = jax.random.split(key, 16)
    inp = {}
    inp['x'] = jax.random.normal(ks[0], (N, D_IN), dtype=jnp.float32)
    inp['edge_index'] = jax.random.randint(ks[1], (2, E), 0, N, dtype=jnp.int64)
    dims = [(D_IN, D_H), (D_H, D_H), (D_H, D_H)]
    for i, (di, do) in enumerate(dims):
        s = 1.0 / np.sqrt(di)
        inp[f'W_self{i}'] = jax.random.uniform(ks[2 + 3 * i], (di, do), dtype=jnp.float32, minval=-s, maxval=s)
        inp[f'W_neigh{i}'] = jax.random.uniform(ks[3 + 3 * i], (di, do), dtype=jnp.float32, minval=-s, maxval=s)
        inp[f'b{i}'] = jnp.zeros((do,), dtype=jnp.float32)
    sc = 1.0 / np.sqrt(D_H)
    inp['W_cls'] = jax.random.uniform(ks[12], (D_H, N_CLASSES), dtype=jnp.float32, minval=-sc, maxval=sc)
    inp['b_cls'] = jnp.zeros((N_CLASSES,), dtype=jnp.float32)
    return inp


def _sage_layer(h, src, dst, W_self, W_neigh, b):
    # mean aggregation over in-neighbors (DGL SAGEConv 'mean')
    msg = jnp.take(h, src, axis=0)                                # gather [E, d]
    neigh_sum = jax.ops.segment_sum(msg, dst, num_segments=N)     # scatter-add [N, d]
    deg = jax.ops.segment_sum(jnp.ones((src.shape[0],), dtype=h.dtype), dst, num_segments=N)
    h_neigh = neigh_sum / jnp.clip(deg, 1.0, None)[:, None]
    out = h @ W_self + h_neigh @ W_neigh + b
    return jax.nn.relu(out)


def reference(x, edge_index, W_self0, W_neigh0, b0, W_self1, W_neigh1, b1, W_self2, W_neigh2, b2, W_cls, b_cls):
    src = edge_index[0]
    dst = edge_index[1]
    h = x
    params = [(W_self0, W_neigh0, b0), (W_self1, W_neigh1, b1), (W_self2, W_neigh2, b2)]
    for (Ws, Wn, b) in params:
        h = _sage_layer(h, src, dst, Ws, Wn, b)
    # readout == 'mean': dgl.mean_nodes over the (single) graph -> [1, D_H]
    hg = jnp.mean(h, axis=0, keepdims=True)
    return hg @ W_cls + b_cls


if False:  # reference __main__ guard neutralized (emitter)
    out = reference(**setup_inputs())
    print(out.shape)

if __name__ == "__main__":
    import jax
    _d = setup_inputs()
    print(jax.jit(kernel)(*tuple(_d.values())))

</pallas_src>

<mosaic_0001>
#map = affine_map<(d0, d1) -> (0, 0)>
#map1 = affine_map<(d0, d1) -> (0)>
module attributes {stable_mosaic.version = 14 : i64} {
  func.func @_sc_agg_body(%arg0: i32, %arg1: i32, %arg2: memref<10240x128xf32, #tpu.memory_space<hbm>>, %arg3: memref<327680xi32, #tpu.memory_space<hbm>>, %arg4: memref<2560x128xi32, #tpu.memory_space<hbm>>, %arg5: memref<10240x128xf32, #tpu.memory_space<hbm>>, %arg6: memref<20480x128xf32, #tpu.memory_space<hbm>>, %arg7: memref<10240xi32, #tpu.memory_space<vmem>>, %arg8: memref<80x128xi32, #tpu.memory_space<vmem>>, %arg9: memref<128x128xf32, #tpu.memory_space<vmem>>, %arg10: memref<10240x128xf32, #tpu.memory_space<vmem_shared>>) attributes {dimension_semantics = [#tpu.dimension_semantics<core_parallel>, #tpu.dimension_semantics<subcore_parallel>], iteration_bounds = array<i64: 2, 16>, scalar_prefetch = 0 : i64, scratch_operands = 4 : i64, tpu.core_type = #tpu.core_type<sc_vector_subcore>, window_params = [{transform_indices = #map}, {transform_indices = #map1}, {transform_indices = #map}, {transform_indices = #map}, {transform_indices = #map}]} {
    %mul3A = arith.constant 16 : i32
    %mul3A_0 = arith.muli %arg0, %mul3A : i32
    %add3A = arith.addi %mul3A_0, %arg1 : i32
    %mul3A_1 = arith.constant 640 : i32
    %mul3A_2 = arith.muli %arg1, %mul3A_1 : i32
    %mul3A_3 = arith.constant 640 : i32
    %mul3A_4 = arith.muli %arg1, %mul3A_3 : i32
    "tpu.region"() ({
      %run_scoped3A = tpu.sem_alloc : memref<!tpu.dma_semaphore, #tpu.memory_space<semaphore_mem>>
      %dma_start3A = arith.constant 0 : i32
      %dma_start3A_24 = tpu.memref_slice %arg10[%mul3A_4, %dma_start3A] : memref<10240x128xf32, #tpu.memory_space<vmem_shared>> -> memref<640x128xf32, #tpu.memory_space<vmem_shared>>
      %dma_start3A_25 = arith.constant 0 : i32
      %dma_start3A_26 = tpu.memref_slice %arg5[%mul3A_2, %dma_start3A_25] : memref<10240x128xf32, #tpu.memory_space<hbm>> -> memref<640x128xf32, #tpu.memory_space<hbm>>
      tpu.enqueue_dma source(%dma_start3A_26 : memref<640x128xf32, #tpu.memory_space<hbm>>) target(%dma_start3A_24 : memref<640x128xf32, #tpu.memory_space<vmem_shared>>) target_semaphore(%run_scoped3A : memref<!tpu.dma_semaphore, #tpu.memory_space<semaphore_mem>>)
      %dma_wait3A = arith.constant 0 : i32
      %dma_wait3A_27 = tpu.memref_slice %arg10[%mul3A_4, %dma_wait3A] : memref<10240x128xf32, #tpu.memory_space<vmem_shared>> -> memref<640x128xf32, #tpu.memory_space<vmem_shared>>
      %dma_wait3A_28 = arith.constant 0 : i32
      %dma_wait3A_29 = tpu.memref_slice %arg5[%mul3A_2, %dma_wait3A_28] : memref<10240x128xf32, #tpu.memory_space<hbm>> -> memref<640x128xf32, #tpu.memory_space<hbm>>
      tpu.wait_dma2 semaphore(%run_scoped3A : memref<!tpu.dma_semaphore, #tpu.memory_space<semaphore_mem>>) src(%dma_wait3A_29 : memref<640x128xf32, #tpu.memory_space<hbm>>) dst(%dma_wait3A_27 : memref<640x128xf32, #tpu.memory_space<vmem_shared>>)
      tpu.yield
    }) : () -> ()
    %mul3A_5 = arith.constant 80 : i32
    %mul3A_6 = arith.muli %add3A, %mul3A_5 : i32
    %mul3A_7 = arith.constant 128 : i32
    %mul3A_8 = arith.muli %mul3A_6, %mul3A_7 : i32
    "tpu.region"() ({
      %run_scoped3A = tpu.sem_alloc : memref<!tpu.dma_semaphore, #tpu.memory_space<semaphore_mem>>
      %dma_start3A = tpu.memref_slice %arg3[%mul3A_8] : memref<327680xi32, #tpu.memory_space<hbm>> -> memref<10240xi32, #tpu.memory_space<hbm>>
      %dma_start3A_24 = tpu.memref_slice %arg3[%mul3A_8] : memref<327680xi32, #tpu.memory_space<hbm>> -> memref<10240xi32, #tpu.memory_space<hbm>>
      tpu.enqueue_dma source(%dma_start3A_24 : memref<10240xi32, #tpu.memory_space<hbm>>) target(%arg7 : memref<10240xi32, #tpu.memory_space<vmem>>) target_semaphore(%run_scoped3A : memref<!tpu.dma_semaphore, #tpu.memory_space<semaphore_mem>>)
      %dma_wait3A = tpu.memref_slice %arg3[%mul3A_8] : memref<327680xi32, #tpu.memory_space<hbm>> -> memref<10240xi32, #tpu.memory_space<hbm>>
      %dma_wait3A_25 = tpu.memref_slice %arg3[%mul3A_8] : memref<327680xi32, #tpu.memory_space<hbm>> -> memref<10240xi32, #tpu.memory_space<hbm>>
      tpu.wait_dma2 semaphore(%run_scoped3A : memref<!tpu.dma_semaphore, #tpu.memory_space<semaphore_mem>>) src(%dma_wait3A_25 : memref<10240xi32, #tpu.memory_space<hbm>>) dst(%arg7 : memref<10240xi32, #tpu.memory_space<vmem>>)
      tpu.yield
    }) : () -> ()
    %mul3A_9 = arith.constant 80 : i32
    %mul3A_10 = arith.muli %add3A, %mul3A_9 : i32
    "tpu.region"() ({
      %run_scoped3A = tpu.sem_alloc : memref<!tpu.dma_semaphore, #tpu.memory_space<semaphore_mem>>
      %dma_start3A = arith.constant 0 : i32
      %dma_start3A_24 = tpu.memref_slice %arg4[%mul3A_10, %dma_start3A] : memref<2560x128xi32, #tpu.memory_space<hbm>> -> memref<80x128xi32, #tpu.memory_space<hbm>>
      %dma_start3A_25 = arith.constant 0 : i32
      %dma_start3A_26 = tpu.memref_slice %arg4[%mul3A_10, %dma_start3A_25] : memref<2560x128xi32, #tpu.memory_space<hbm>> -> memref<80x128xi32, #tpu.memory_space<hbm>>
      tpu.enqueue_dma source(%dma_start3A_26 : memref<80x128xi32, #tpu.memory_space<hbm>>) target(%arg8 : memref<80x128xi32, #tpu.memory_space<vmem>>) target_semaphore(%run_scoped3A : memref<!tpu.dma_semaphore, #tpu.memory_space<semaphore_mem>>)
      %dma_wait3A = arith.constant 0 : i32
      %dma_wait3A_27 = tpu.memref_slice %arg4[%mul3A_10, %dma_wait3A] : memref<2560x128xi32, #tpu.memory_space<hbm>> -> memref<80x128xi32, #tpu.memory_space<hbm>>
      %dma_wait3A_28 = arith.constant 0 : i32
      %dma_wait3A_29 = tpu.memref_slice %arg4[%mul3A_10, %dma_wait3A_28] : memref<2560x128xi32, #tpu.memory_space<hbm>> -> memref<80x128xi32, #tpu.memory_space<hbm>>
      tpu.wait_dma2 semaphore(%run_scoped3A : memref<!tpu.dma_semaphore, #tpu.memory_space<semaphore_mem>>) src(%dma_wait3A_29 : memref<80x128xi32, #tpu.memory_space<hbm>>) dst(%arg8 : memref<80x128xi32, #tpu.memory_space<vmem>>)
      tpu.yield
    }) : () -> ()
    %barrier3A = arith.constant 0 : index
    tpu.barrier barrier_id(%barrier3A)
    %scan3A = arith.constant 0 : i32
    %scan3A_11 = arith.constant 0 : i32
    %scan3A_12 = arith.constant 80 : i32
    %scan3A_13 = arith.addi %scan3A_11, %scan3A_12 : i32
    %scan3A_14 = arith.constant 1 : i32
    scf.for %scan3A_24 = %scan3A_11 to %scan3A_13 step %scan3A_14  : i32 {
      %mul3A_25 = arith.constant 128 : i32
      %mul3A_26 = arith.muli %scan3A_24, %mul3A_25 : i32
      "tpu.region"() ({
        %run_scoped3A = tpu.sem_alloc : memref<!tpu.dma_semaphore, #tpu.memory_space<semaphore_mem>>
        %dma_start3A = tpu.memref_slice %arg7[%mul3A_26] : memref<10240xi32, #tpu.memory_space<vmem>> -> memref<128xi32, #tpu.memory_space<vmem>>
        %dma_start3A_27 = arith.constant 0 : i32
        %dma_start3A_28 = arith.constant 0 : i32
        %dma_start3A_29 = tpu.memref_slice %arg2[%dma_start3A_27, %dma_start3A_28] : memref<10240x128xf32, #tpu.memory_space<hbm>> -> memref<10240x128xf32, #tpu.memory_space<hbm>>
        tpu.enqueue_indirect_dma source(%dma_start3A_29 : memref<10240x128xf32, #tpu.memory_space<hbm>>) target(%arg9 : memref<128x128xf32, #tpu.memory_space<vmem>>) offsets(%dma_start3A : memref<128xi32, #tpu.memory_space<vmem>>) semaphore(%run_scoped3A : memref<!tpu.dma_semaphore, #tpu.memory_space<semaphore_mem>>)
        %dma_wait3A = tpu.memref_slice %arg7[%mul3A_26] : memref<10240xi32, #tpu.memory_space<vmem>> -> memref<128xi32, #tpu.memory_space<vmem>>
        %dma_wait3A_30 = arith.constant 0 : i32
        %dma_wait3A_31 = arith.constant 0 : i32
        %dma_wait3A_32 = tpu.memref_slice %arg2[%dma_wait3A_30, %dma_wait3A_31] : memref<10240x128xf32, #tpu.memory_space<hbm>> -> memref<10240x128xf32, #tpu.memory_space<hbm>>
        tpu.wait_indirect_dma semaphore(%run_scoped3A : memref<!tpu.dma_semaphore, #tpu.memory_space<semaphore_mem>>) src(%dma_wait3A_32 : memref<10240x128xf32, #tpu.memory_space<hbm>>) dst(%arg9 : memref<128x128xf32, #tpu.memory_space<vmem>>)
        tpu.yield
      }) : () -> ()
      "tpu.region"() ({
        %run_scoped3A = tpu.sem_alloc : memref<!tpu.dma_semaphore, #tpu.memory_space<semaphore_mem>>
        %dma_start3A = arith.constant 0 : i32
        %dma_start3A_27 = tpu.memref_slice %arg8[%scan3A_24, %dma_start3A] : memref<80x128xi32, #tpu.memory_space<vmem>> -> memref<1x128xi32, #tpu.memory_space<vmem>>
        %dma_start3A_28 = tpu.memref_squeeze %dma_start3A_27 : memref<1x128xi32, #tpu.memory_space<vmem>> -> memref<128xi32, #tpu.memory_space<vmem>>
        %dma_start3A_29 = arith.constant 0 : i32
        %dma_start3A_30 = arith.constant 0 : i32
        %dma_start3A_31 = tpu.memref_slice %arg10[%dma_start3A_29, %dma_start3A_30] : memref<10240x128xf32, #tpu.memory_space<vmem_shared>> -> memref<10240x128xf32, #tpu.memory_space<vmem_shared>>
        tpu.enqueue_indirect_dma source(%arg9 : memref<128x128xf32, #tpu.memory_space<vmem>>) target(%dma_start3A_31 : memref<10240x128xf32, #tpu.memory_space<vmem_shared>>) offsets(%dma_start3A_28 : memref<128xi32, #tpu.memory_space<vmem>>) semaphore(%run_scoped3A : memref<!tpu.dma_semaphore, #tpu.memory_space<semaphore_mem>>) {add = true}
        %dma_wait3A = arith.constant 0 : i32
        %dma_wait3A_32 = tpu.memref_slice %arg8[%scan3A_24, %dma_wait3A] : memref<80x128xi32, #tpu.memory_space<vmem>> -> memref<1x128xi32, #tpu.memory_space<vmem>>
        %dma_wait3A_33 = tpu.memref_squeeze %dma_wait3A_32 : memref<1x128xi32, #tpu.memory_space<vmem>> -> memref<128xi32, #tpu.memory_space<vmem>>
        %dma_wait3A_34 = arith.constant 0 : i32
        %dma_wait3A_35 = arith.constant 0 : i32
        %dma_wait3A_36 = tpu.memref_slice %arg10[%dma_wait3A_34, %dma_wait3A_35] : memref<10240x128xf32, #tpu.memory_space<vmem_shared>> -> memref<10240x128xf32, #tpu.memory_space<vmem_shared>>
        tpu.wait_indirect_dma semaphore(%run_scoped3A : memref<!tpu.dma_semaphore, #tpu.memory_space<semaphore_mem>>) src(%arg9 : memref<128x128xf32, #tpu.memory_space<vmem>>) dst(%dma_wait3A_36 : memref<10240x128xf32, #tpu.memory_space<vmem_shared>>)
        tpu.yield
      }) : () -> ()
    }
    %scan3A_15 = arith.constant 80 : i32
    %barrier3A_16 = arith.constant 0 : index
    tpu.barrier barrier_id(%barrier3A_16)
    %mul3A_17 = arith.constant 640 : i32
    %mul3A_18 = arith.muli %arg1, %mul3A_17 : i32
    %mul3A_19 = arith.constant 10240 : i32
    %mul3A_20 = arith.muli %arg0, %mul3A_19 : i32
    %mul3A_21 = arith.constant 640 : i32
    %mul3A_22 = arith.muli %arg1, %mul3A_21 : i32
    %add3A_23 = arith.addi %mul3A_20, %mul3A_22 : i32
    "tpu.region"() ({
      %run_scoped3A = tpu.sem_alloc : memref<!tpu.dma_semaphore, #tpu.memory_space<semaphore_mem>>
      %dma_start3A = arith.constant 0 : i32
      %dma_start3A_24 = tpu.memref_slice %arg6[%add3A_23, %dma_start3A] : memref<20480x128xf32, #tpu.memory_space<hbm>> -> memref<640x128xf32, #tpu.memory_space<hbm>>
      %dma_start3A_25 = arith.constant 0 : i32
      %dma_start3A_26 = tpu.memref_slice %arg10[%mul3A_18, %dma_start3A_25] : memref<10240x128xf32, #tpu.memory_space<vmem_shared>> -> memref<640x128xf32, #tpu.memory_space<vmem_shared>>
      tpu.enqueue_dma source(%dma_start3A_26 : memref<640x128xf32, #tpu.memory_space<vmem_shared>>) target(%dma_start3A_24 : memref<640x128xf32, #tpu.memory_space<hbm>>) target_semaphore(%run_scoped3A : memref<!tpu.dma_semaphore, #tpu.memory_space<semaphore_mem>>)
      %dma_wait3A = arith.constant 0 : i32
      %dma_wait3A_27 = tpu.memref_slice %arg6[%add3A_23, %dma_wait3A] : memref<20480x128xf32, #tpu.memory_space<hbm>> -> memref<640x128xf32, #tpu.memory_space<hbm>>
      %dma_wait3A_28 = arith.constant 0 : i32
      %dma_wait3A_29 = tpu.memref_slice %arg10[%mul3A_18, %dma_wait3A_28] : memref<10240x128xf32, #tpu.memory_space<vmem_shared>> -> memref<640x128xf32, #tpu.memory_space<vmem_shared>>
      tpu.wait_dma2 semaphore(%run_scoped3A : memref<!tpu.dma_semaphore, #tpu.memory_space<semaphore_mem>>) src(%dma_wait3A_29 : memref<640x128xf32, #tpu.memory_space<vmem_shared>>) dst(%dma_wait3A_27 : memref<640x128xf32, #tpu.memory_space<hbm>>)
      tpu.yield
    }) : () -> ()
    return
  }
}

#map = affine_map<(d0, d1) -> (0, 0)>
#map1 = affine_map<(d0, d1) -> (0)>
module attributes {stable_mosaic.version = 14 : i64} {
  func.func @_sc_agg_deg_body(%arg0: i32, %arg1: i32, %arg2: memref<10240x128xf32, #tpu.memory_space<hbm>>, %arg3: memref<327680xi32, #tpu.memory_space<hbm>>, %arg4: memref<2560x128xi32, #tpu.memory_space<hbm>>, %arg5: memref<10240x128xf32, #tpu.memory_space<hbm>>, %arg6: memref<10240xf32, #tpu.memory_space<hbm>>, %arg7: memref<20480x128xf32, #tpu.memory_space<hbm>>, %arg8: memref<20480xf32, #tpu.memory_space<hbm>>, %arg9: memref<10240xi32, #tpu.memory_space<vmem>>, %arg10: memref<80x128xi32, #tpu.memory_space<vmem>>, %arg11: memref<128x128xf32, #tpu.memory_space<vmem>>, %arg12: memref<128xf32, #tpu.memory_space<vmem>>, %arg13: memref<10240x128xf32, #tpu.memory_space<vmem_shared>>, %arg14: memref<10240xf32, #tpu.memory_space<vmem_shared>>) attributes {dimension_semantics = [#tpu.dimension_semantics<core_parallel>, #tpu.dimension_semantics<subcore_parallel>], iteration_bounds = array<i64: 2, 16>, scalar_prefetch = 0 : i64, scratch_operands = 6 : i64, tpu.core_type = #tpu.core_type<sc_vector_subcore>, window_params = [{transform_indices = #map}, {transform_indices = #map1}, {transform_indices = #map}, {transform_indices = #map}, {transform_indices = #map1}, {transform_indices = #map}, {transform_indices = #map1}]} {
    %mul3A = arith.constant 16 : i32
    %mul3A_0 = arith.muli %arg0, %mul3A : i32
    %add3A = arith.addi %mul3A_0, %arg1 : i32
    %mul3A_1 = arith.constant 640 : i32
    %mul3A_2 = arith.muli %arg1, %mul3A_1 : i32
    %mul3A_3 = arith.constant 640 : i32
    %mul3A_4 = arith.muli %arg1, %mul3A_3 : i32
    "tpu.region"() ({
      %run_scoped3A = tpu.sem_alloc : memref<!tpu.dma_semaphore, #tpu.memory_space<semaphore_mem>>
      %dma_start3A = arith.constant 0 : i32
      %dma_start3A_81 = tpu.memref_slice %arg13[%mul3A_4, %dma_start3A] : memref<10240x128xf32, #tpu.memory_space<vmem_shared>> -> memref<640x128xf32, #tpu.memory_space<vmem_shared>>
      %dma_start3A_82 = arith.constant 0 : i32
      %dma_start3A_83 = tpu.memref_slice %arg5[%mul3A_2, %dma_start3A_82] : memref<10240x128xf32, #tpu.memory_space<hbm>> -> memref<640x128xf32, #tpu.memory_space<hbm>>
      tpu.enqueue_dma source(%dma_start3A_83 : memref<640x128xf32, #tpu.memory_space<hbm>>) target(%dma_start3A_81 : memref<640x128xf32, #tpu.memory_space<vmem_shared>>) target_semaphore(%run_scoped3A : memref<!tpu.dma_semaphore, #tpu.memory_space<semaphore_mem>>)
      %dma_wait3A = arith.constant 0 : i32
      %dma_wait3A_84 = tpu.memref_slice %arg13[%mul3A_4, %dma_wait3A] : memref<10240x128xf32, #tpu.memory_space<vmem_shared>> -> memref<640x128xf32, #tpu.memory_space<vmem_shared>>
      %dma_wait3A_85 = arith.constant 0 : i32
      %dma_wait3A_86 = tpu.memref_slice %arg5[%mul3A_2, %dma_wait3A_85] : memref<10240x128xf32, #tpu.memory_space<hbm>> -> memref<640x128xf32, #tpu.memory_space<hbm>>
      tpu.wait_dma2 semaphore(%run_scoped3A : memref<!tpu.dma_semaphore, #tpu.memory_space<semaphore_mem>>) src(%dma_wait3A_86 : memref<640x128xf32, #tpu.memory_space<hbm>>) dst(%dma_wait3A_84 : memref<640x128xf32, #tpu.memory_space<vmem_shared>>)
      tpu.yield
    }) : () -> ()
    %mul3A_5 = arith.constant 640 : i32
    %mul3A_6 = arith.muli %arg1, %mul3A_5 : i32
    %mul3A_7 = arith.constant 640 : i32
    %mul3A_8 = arith.muli %arg1, %mul3A_7 : i32
    "tpu.region"() ({
      %run_scoped3A = tpu.sem_alloc : memref<!tpu.dma_semaphore, #tpu.memory_space<semaphore_mem>>
      %dma_start3A = tpu.memref_slice %arg14[%mul3A_8] : memref<10240xf32, #tpu.memory_space<vmem_shared>> -> memref<640xf32, #tpu.memory_space<vmem_shared>>
      %dma_start3A_81 = tpu.memref_slice %arg6[%mul3A_6] : memref<10240xf32, #tpu.memory_space<hbm>> -> memref<640xf32, #tpu.memory_space<hbm>>
      tpu.enqueue_dma source(%dma_start3A_81 : memref<640xf32, #tpu.memory_space<hbm>>) target(%dma_start3A : memref<640xf32, #tpu.memory_space<vmem_shared>>) target_semaphore(%run_scoped3A : memref<!tpu.dma_semaphore, #tpu.memory_space<semaphore_mem>>)
      %dma_wait3A = tpu.memref_slice %arg14[%mul3A_8] : memref<10240xf32, #tpu.memory_space<vmem_shared>> -> memref<640xf32, #tpu.memory_space<vmem_shared>>
      %dma_wait3A_82 = tpu.memref_slice %arg6[%mul3A_6] : memref<10240xf32, #tpu.memory_space<hbm>> -> memref<640xf32, #tpu.memory_space<hbm>>
      tpu.wait_dma2 semaphore(%run_scoped3A : memref<!tpu.dma_semaphore, #tpu.memory_space<semaphore_mem>>) src(%dma_wait3A_82 : memref<640xf32, #tpu.memory_space<hbm>>) dst(%dma_wait3A : memref<640xf32, #tpu.memory_space<vmem_shared>>)
      tpu.yield
    }) : () -> ()
    %broadcast_in_dim3A = arith.constant 1.000000e+00 : f32
    %broadcast_in_dim3A_9 = vector.broadcast %broadcast_in_dim3A : f32 to vector<16xf32>
    %swap3A = arith.constant 0 : index
    %swap3A_10 = tpu.vector_load %arg12[%swap3A] {strides = array<i32>} : memref<128xf32, #tpu.memory_space<vmem>>, vector<16xf32>,
    %swap3A_11 = vector.shape_cast %swap3A_10 : vector<16xf32> to vector<16xf32>
    %swap3A_12 = vector.shape_cast %broadcast_in_dim3A_9 : vector<16xf32> to vector<16xf32>
    tpu.vector_store %arg12[%swap3A], %swap3A_12 {strides = array<i32>} : memref<128xf32, #tpu.memory_space<vmem>>, vector<16xf32>,
    %broadcast_in_dim3A_13 = arith.constant 1.000000e+00 : f32
    %broadcast_in_dim3A_14 = vector.broadcast %broadcast_in_dim3A_13 : f32 to vector<16xf32>
    %swap3A_15 = arith.constant 16 : index
    %swap3A_16 = tpu.vector_load %arg12[%swap3A_15] {strides = array<i32>} : memref<128xf32, #tpu.memory_space<vmem>>, vector<16xf32>,
    %swap3A_17 = vector.shape_cast %swap3A_16 : vector<16xf32> to vector<16xf32>
    %swap3A_18 = vector.shape_cast %broadcast_in_dim3A_14 : vector<16xf32> to vector<16xf32>
    tpu.vector_store %arg12[%swap3A_15], %swap3A_18 {strides = array<i32>} : memref<128xf32, #tpu.memory_space<vmem>>, vector<16xf32>,
    %broadcast_in_dim3A_19 = arith.constant 1.000000e+00 : f32
    %broadcast_in_dim3A_20 = vector.broadcast %broadcast_in_dim3A_19 : f32 to vector<16xf32>
    %swap3A_21 = arith.constant 32 : index
    %swap3A_22 = tpu.vector_load %arg12[%swap3A_21] {strides = array<i32>} : memref<128xf32, #tpu.memory_space<vmem>>, vector<16xf32>,
    %swap3A_23 = vector.shape_cast %swap3A_22 : vector<16xf32> to vector<16xf32>
    %swap3A_24 = vector.shape_cast %broadcast_in_dim3A_20 : vector<16xf32> to vector<16xf32>
    tpu.vector_store %arg12[%swap3A_21], %swap3A_24 {strides = array<i32>} : memref<128xf32, #tpu.memory_space<vmem>>, vector<16xf32>,
    %broadcast_in_dim3A_25 = arith.constant 1.000000e+00 : f32
    %broadcast_in_dim3A_26 = vector.broadcast %broadcast_in_dim3A_25 : f32 to vector<16xf32>
    %swap3A_27 = arith.constant 48 : index
    %swap3A_28 = tpu.vector_load %arg12[%swap3A_27] {strides = array<i32>} : memref<128xf32, #tpu.memory_space<vmem>>, vector<16xf32>,
    %swap3A_29 = vector.shape_cast %swap3A_28 : vector<16xf32> to vector<16xf32>
    %swap3A_30 = vector.shape_cast %broadcast_in_dim3A_26 : vector<16xf32> to vector<16xf32>
    tpu.vector_store %arg12[%swap3A_27], %swap3A_30 {strides = array<i32>} : memref<128xf32, #tpu.memory_space<vmem>>, vector<16xf32>,
    %broadcast_in_dim3A_31 = arith.constant 1.000000e+00 : f32
    %broadcast_in_dim3A_32 = vector.broadcast %broadcast_in_dim3A_31 : f32 to vector<16xf32>
    %swap3A_33 = arith.constant 64 : index
    %swap3A_34 = tpu.vector_load %arg12[%swap3A_33] {strides = array<i32>} : memref<128xf32, #tpu.memory_space<vmem>>, vector<16xf32>,
    %swap3A_35 = vector.shape_cast %swap3A_34 : vector<16xf32> to vector<16xf32>
    %swap3A_36 = vector.shape_cast %broadcast_in_dim3A_32 : vector<16xf32> to vector<16xf32>
    tpu.vector_store %arg12[%swap3A_33], %swap3A_36 {strides = array<i32>} : memref<128xf32, #tpu.memory_space<vmem>>, vector<16xf32>,
    %broadcast_in_dim3A_37 = arith.constant 1.000000e+00 : f32
    %broadcast_in_dim3A_38 = vector.broadcast %broadcast_in_dim3A_37 : f32 to vector<16xf32>
    %swap3A_39 = arith.constant 80 : index
    %swap3A_40 = tpu.vector_load %arg12[%swap3A_39] {strides = array<i32>} : memref<128xf32, #tpu.memory_space<vmem>>, vector<16xf32>,
    %swap3A_41 = vector.shape_cast %swap3A_40 : vector<16xf32> to vector<16xf32>
    %swap3A_42 = vector.shape_cast %broadcast_in_dim3A_38 : vector<16xf32> to vector<16xf32>
    tpu.vector_store %arg12[%swap3A_39], %swap3A_42 {strides = array<i32>} : memref<128xf32, #tpu.memory_space<vmem>>, vector<16xf32>,
    %broadcast_in_dim3A_43 = arith.constant 1.000000e+00 : f32
    %broadcast_in_dim3A_44 = vector.broadcast %broadcast_in_dim3A_43 : f32 to vector<16xf32>
    %swap3A_45 = arith.constant 96 : index
    %swap3A_46 = tpu.vector_load %arg12[%swap3A_45] {strides = array<i32>} : memref<128xf32, #tpu.memory_space<vmem>>, vector<16xf32>,
    %swap3A_47 = vector.shape_cast %swap3A_46 : vector<16xf32> to vector<16xf32>
    %swap3A_48 = vector.shape_cast %broadcast_in_dim3A_44 : vector<16xf32> to vector<16xf32>
    tpu.vector_store %arg12[%swap3A_45], %swap3A_48 {strides = array<i32>} : memref<128xf32, #tpu.memory_space<vmem>>, vector<16xf32>,
    %broadcast_in_dim3A_49 = arith.constant 1.000000e+00 : f32
    %broadcast_in_dim3A_50 = vector.broadcast %broadcast_in_dim3A_49 : f32 to vector<16xf32>
    %swap3A_51 = arith.constant 112 : index
    %swap3A_52 = tpu.vector_load %arg12[%swap3A_51] {strides = array<i32>} : memref<128xf32, #tpu.memory_space<vmem>>, vector<16xf32>,
    %swap3A_53 = vector.shape_cast %swap3A_52 : vector<16xf32> to vector<16xf32>
    %swap3A_54 = vector.shape_cast %broadcast_in_dim3A_50 : vector<16xf32> to vector<16xf32>
    tpu.vector_store %arg12[%swap3A_51], %swap3A_54 {strides = array<i32>} : memref<128xf32, #tpu.memory_space<vmem>>, vector<16xf32>,
    %mul3A_55 = arith.constant 80 : i32
    %mul3A_56 = arith.muli %add3A, %mul3A_55 : i32
    %mul3A_57 = arith.constant 128 : i32
    %mul3A_58 = arith.muli %mul3A_56, %mul3A_57 : i32
    "tpu.region"() ({
      %run_scoped3A = tpu.sem_alloc : memref<!tpu.dma_semaphore, #tpu.memory_space<semaphore_mem>>
      %dma_start3A = tpu.memref_slice %arg3[%mul3A_58] : memref<327680xi32, #tpu.memory_space<hbm>> -> memref<10240xi32, #tpu.memory_space<hbm>>
      %dma_start3A_81 = tpu.memref_slice %arg3[%mul3A_58] : memref<327680xi32, #tpu.memory_space<hbm>> -> memref<10240xi32, #tpu.memory_space<hbm>>
      tpu.enqueue_dma source(%dma_start3A_81 : memref<10240xi32, #tpu.memory_space<hbm>>) target(%arg9 : memref<10240xi32, #tpu.memory_space<vmem>>) target_semaphore(%run_scoped3A : memref<!tpu.dma_semaphore, #tpu.memory_space<semaphore_mem>>)
      %dma_wait3A = tpu.memref_slice %arg3[%mul3A_58] : memref<327680xi32, #tpu.memory_space<hbm>> -> memref<10240xi32, #tpu.memory_space<hbm>>
      %dma_wait3A_82 = tpu.memref_slice %arg3[%mul3A_58] : memref<327680xi32, #tpu.memory_space<hbm>> -> memref<10240xi32, #tpu.memory_space<hbm>>
      tpu.wait_dma2 semaphore(%run_scoped3A : memref<!tpu.dma_semaphore, #tpu.memory_space<semaphore_mem>>) src(%dma_wait3A_82 : memref<10240xi32, #tpu.memory_space<hbm>>) dst(%arg9 : memref<10240xi32, #tpu.memory_space<vmem>>)
      tpu.yield
    }) : () -> ()
    %mul3A_59 = arith.constant 80 : i32
    %mul3A_60 = arith.muli %add3A, %mul3A_59 : i32
    "tpu.region"() ({
      %run_scoped3A = tpu.sem_alloc : memref<!tpu.dma_semaphore, #tpu.memory_space<semaphore_mem>>
      %dma_start3A = arith.constant 0 : i32
      %dma_start3A_81 = tpu.memref_slice %arg4[%mul3A_60, %dma_start3A] : memref<2560x128xi32, #tpu.memory_space<hbm>> -> memref<80x128xi32, #tpu.memory_space<hbm>>
      %dma_start3A_82 = arith.constant 0 : i32
      %dma_start3A_83 = tpu.memref_slice %arg4[%mul3A_60, %dma_start3A_82] : memref<2560x128xi32, #tpu.memory_space<hbm>> -> memref<80x128xi32, #tpu.memory_space<hbm>>
      tpu.enqueue_dma source(%dma_start3A_83 : memref<80x128xi32, #tpu.memory_space<hbm>>) target(%arg10 : memref<80x128xi32, #tpu.memory_space<vmem>>) target_semaphore(%run_scoped3A : memref<!tpu.dma_semaphore, #tpu.memory_space<semaphore_mem>>)
      %dma_wait3A = arith.constant 0 : i32
      %dma_wait3A_84 = tpu.memref_slice %arg4[%mul3A_60, %dma_wait3A] : memref<2560x128xi32, #tpu.memory_space<hbm>> -> memref<80x128xi32, #tpu.memory_space<hbm>>
      %dma_wait3A_85 = arith.constant 0 : i32
      %dma_wait3A_86 = tpu.memref_slice %arg4[%mul3A_60, %dma_wait3A_85] : memref<2560x128xi32, #tpu.memory_space<hbm>> -> memref<80x128xi32, #tpu.memory_space<hbm>>
      tpu.wait_dma2 semaphore(%run_scoped3A : memref<!tpu.dma_semaphore, #tpu.memory_space<semaphore_mem>>) src(%dma_wait3A_86 : memref<80x128xi32, #tpu.memory_space<hbm>>) dst(%arg10 : memref<80x128xi32, #tpu.memory_space<vmem>>)
      tpu.yield
    }) : () -> ()
    %barrier3A = arith.constant 0 : index
    tpu.barrier barrier_id(%barrier3A)
    %scan3A = arith.constant 0 : i32
    %scan3A_61 = arith.constant 0 : i32
    %scan3A_62 = arith.constant 80 : i32
    %scan3A_63 = arith.addi %scan3A_61, %scan3A_62 : i32
    %scan3A_64 = arith.constant 1 : i32
    scf.for %scan3A_81 = %scan3A_61 to %scan3A_63 step %scan3A_64  : i32 {
      %mul3A_82 = arith.constant 128 : i32
      %mul3A_83 = arith.muli %scan3A_81, %mul3A_82 : i32
      "tpu.region"() ({
        %run_scoped3A = tpu.sem_alloc : memref<!tpu.dma_semaphore, #tpu.memory_space<semaphore_mem>>
        %dma_start3A = tpu.memref_slice %arg9[%mul3A_83] : memref<10240xi32, #tpu.memory_space<vmem>> -> memref<128xi32, #tpu.memory_space<vmem>>
        %dma_start3A_84 = arith.constant 0 : i32
        %dma_start3A_85 = arith.constant 0 : i32
        %dma_start3A_86 = tpu.memref_slice %arg2[%dma_start3A_84, %dma_start3A_85] : memref<10240x128xf32, #tpu.memory_space<hbm>> -> memref<10240x128xf32, #tpu.memory_space<hbm>>
        tpu.enqueue_indirect_dma source(%dma_start3A_86 : memref<10240x128xf32, #tpu.memory_space<hbm>>) target(%arg11 : memref<128x128xf32, #tpu.memory_space<vmem>>) offsets(%dma_start3A : memref<128xi32, #tpu.memory_space<vmem>>) semaphore(%run_scoped3A : memref<!tpu.dma_semaphore, #tpu.memory_space<semaphore_mem>>)
        %dma_wait3A = tpu.memref_slice %arg9[%mul3A_83] : memref<10240xi32, #tpu.memory_space<vmem>> -> memref<128xi32, #tpu.memory_space<vmem>>
        %dma_wait3A_87 = arith.constant 0 : i32
        %dma_wait3A_88 = arith.constant 0 : i32
        %dma_wait3A_89 = tpu.memref_slice %arg2[%dma_wait3A_87, %dma_wait3A_88] : memref<10240x128xf32, #tpu.memory_space<hbm>> -> memref<10240x128xf32, #tpu.memory_space<hbm>>
        tpu.wait_indirect_dma semaphore(%run_scoped3A : memref<!tpu.dma_semaphore, #tpu.memory_space<semaphore_mem>>) src(%dma_wait3A_89 : memref<10240x128xf32, #tpu.memory_space<hbm>>) dst(%arg11 : memref<128x128xf32, #tpu.memory_space<vmem>>)
        tpu.yield
      }) : () -> ()
      "tpu.region"() ({
        %run_scoped3A = tpu.sem_alloc : memref<!tpu.dma_semaphore, #tpu.memory_space<semaphore_mem>>
        %dma_start3A = arith.constant 0 : i32
        %dma_start3A_84 = tpu.memref_slice %arg10[%scan3A_81, %dma_start3A] : memref<80x128xi32, #tpu.memory_space<vmem>> -> memref<1x128xi32, #tpu.memory_space<vmem>>
        %dma_start3A_85 = tpu.memref_squeeze %dma_start3A_84 : memref<1x128xi32, #tpu.memory_space<vmem>> -> memref<128xi32, #tpu.memory_space<vmem>>
        %dma_start3A_86 = arith.constant 0 : i32
        %dma_start3A_87 = arith.constant 0 : i32
        %dma_start3A_88 = tpu.memref_slice %arg13[%dma_start3A_86, %dma_start3A_87] : memref<10240x128xf32, #tpu.memory_space<vmem_shared>> -> memref<10240x128xf32, #tpu.memory_space<vmem_shared>>
        tpu.enqueue_indirect_dma source(%arg11 : memref<128x128xf32, #tpu.memory_space<vmem>>) target(%dma_start3A_88 : memref<10240x128xf32, #tpu.memory_space<vmem_shared>>) offsets(%dma_start3A_85 : memref<128xi32, #tpu.memory_space<vmem>>) semaphore(%run_scoped3A : memref<!tpu.dma_semaphore, #tpu.memory_space<semaphore_mem>>) {add = true}
        %dma_wait3A = arith.constant 0 : i32
        %dma_wait3A_89 = tpu.memref_slice %arg10[%scan3A_81, %dma_wait3A] : memref<80x128xi32, #tpu.memory_space<vmem>> -> memref<1x128xi32, #tpu.memory_space<vmem>>
        %dma_wait3A_90 = tpu.memref_squeeze %dma_wait3A_89 : memref<1x128xi32, #tpu.memory_space<vmem>> -> memref<128xi32, #tpu.memory_space<vmem>>
        %dma_wait3A_91 = arith.constant 0 : i32
        %dma_wait3A_92 = arith.constant 0 : i32
        %dma_wait3A_93 = tpu.memref_slice %arg13[%dma_wait3A_91, %dma_wait3A_92] : memref<10240x128xf32, #tpu.memory_space<vmem_shared>> -> memref<10240x128xf32, #tpu.memory_space<vmem_shared>>
        tpu.wait_indirect_dma semaphore(%run_scoped3A : memref<!tpu.dma_semaphore, #tpu.memory_space<semaphore_mem>>) src(%arg11 : memref<128x128xf32, #tpu.memory_space<vmem>>) dst(%dma_wait3A_93 : memref<10240x128xf32, #tpu.memory_space<vmem_shared>>)
        tpu.yield
      }) : () -> ()
      "tpu.region"() ({
        %run_scoped3A = tpu.sem_alloc : memref<!tpu.dma_semaphore, #tpu.memory_space<semaphore_mem>>
        %dma_start3A = arith.constant 0 : i32
        %dma_start3A_84 = tpu.memref_slice %arg10[%scan3A_81, %dma_start3A] : memref<80x128xi32, #tpu.memory_space<vmem>> -> memref<1x128xi32, #tpu.memory_space<vmem>>
        %dma_start3A_85 = tpu.memref_squeeze %dma_start3A_84 : memref<1x128xi32, #tpu.memory_space<vmem>> -> memref<128xi32, #tpu.memory_space<vmem>>
        %dma_start3A_86 = arith.constant 0 : i32
        %dma_start3A_87 = tpu.memref_slice %arg14[%dma_start3A_86] : memref<10240xf32, #tpu.memory_space<vmem_shared>> -> memref<10240xf32, #tpu.memory_space<vmem_shared>>
        tpu.enqueue_indirect_dma source(%arg12 : memref<128xf32, #tpu.memory_space<vmem>>) target(%dma_start3A_87 : memref<10240xf32, #tpu.memory_space<vmem_shared>>) offsets(%dma_start3A_85 : memref<128xi32, #tpu.memory_space<vmem>>) semaphore(%run_scoped3A : memref<!tpu.dma_semaphore, #tpu.memory_space<semaphore_mem>>) {add = true}
        %dma_wait3A = arith.constant 0 : i32
        %dma_wait3A_88 = tpu.memref_slice %arg10[%scan3A_81, %dma_wait3A] : memref<80x128xi32, #tpu.memory_space<vmem>> -> memref<1x128xi32, #tpu.memory_space<vmem>>
        %dma_wait3A_89 = tpu.memref_squeeze %dma_wait3A_88 : memref<1x128xi32, #tpu.memory_space<vmem>> -> memref<128xi32, #tpu.memory_space<vmem>>
        %dma_wait3A_90 = arith.constant 0 : i32
        %dma_wait3A_91 = tpu.memref_slice %arg14[%dma_wait3A_90] : memref<10240xf32, #tpu.memory_space<vmem_shared>> -> memref<10240xf32, #tpu.memory_space<vmem_shared>>
        tpu.wait_indirect_dma semaphore(%run_scoped3A : memref<!tpu.dma_semaphore, #tpu.memory_space<semaphore_mem>>) src(%arg12 : memref<128xf32, #tpu.memory_space<vmem>>) dst(%dma_wait3A_91 : memref<10240xf32, #tpu.memory_space<vmem_shared>>)
        tpu.yield
      }) : () -> ()
    }
    %scan3A_65 = arith.constant 80 : i32
    %barrier3A_66 = arith.constant 0 : index
    tpu.barrier barrier_id(%barrier3A_66)
    %mul3A_67 = arith.constant 640 : i32
    %mul3A_68 = arith.muli %arg1, %mul3A_67 : i32
    %mul3A_69 = arith.constant 10240 : i32
    %mul3A_70 = arith.muli %arg0, %mul3A_69 : i32
    %mul3A_71 = arith.constant 640 : i32
    %mul3A_72 = arith.muli %arg1, %mul3A_71 : i32
    %add3A_73 = arith.addi %mul3A_70, %mul3A_72 : i32
    "tpu.region"() ({
      %run_scoped3A = tpu.sem_alloc : memref<!tpu.dma_semaphore, #tpu.memory_space<semaphore_mem>>
      %dma_start3A = arith.constant 0 : i32
      %dma_start3A_81 = tpu.memref_slice %arg7[%add3A_73, %dma_start3A] : memref<20480x128xf32, #tpu.memory_space<hbm>> -> memref<640x128xf32, #tpu.memory_space<hbm>>
      %dma_start3A_82 = arith.constant 0 : i32
      %dma_start3A_83 = tpu.memref_slice %arg13[%mul3A_68, %dma_start3A_82] : memref<10240x128xf32, #tpu.memory_space<vmem_shared>> -> memref<640x128xf32, #tpu.memory_space<vmem_shared>>
      tpu.enqueue_dma source(%dma_start3A_83 : memref<640x128xf32, #tpu.memory_space<vmem_shared>>) target(%dma_start3A_81 : memref<640x128xf32, #tpu.memory_space<hbm>>) target_semaphore(%run_scoped3A : memref<!tpu.dma_semaphore, #tpu.memory_space<semaphore_mem>>)
      %dma_wait3A = arith.constant 0 : i32
      %dma_wait3A_84 = tpu.memref_slice %arg7[%add3A_73, %dma_wait3A] : memref<20480x128xf32, #tpu.memory_space<hbm>> -> memref<640x128xf32, #tpu.memory_space<hbm>>
      %dma_wait3A_85 = arith.constant 0 : i32
      %dma_wait3A_86 = tpu.memref_slice %arg13[%mul3A_68, %dma_wait3A_85] : memref<10240x128xf32, #tpu.memory_space<vmem_shared>> -> memref<640x128xf32, #tpu.memory_space<vmem_shared>>
      tpu.wait_dma2 semaphore(%run_scoped3A : memref<!tpu.dma_semaphore, #tpu.memory_space<semaphore_mem>>) src(%dma_wait3A_86 : memref<640x128xf32, #tpu.memory_space<vmem_shared>>) dst(%dma_wait3A_84 : memref<640x128xf32, #tpu.memory_space<hbm>>)
      tpu.yield
    }) : () -> ()
    %mul3A_74 = arith.constant 640 : i32
    %mul3A_75 = arith.muli %arg1, %mul3A_74 : i32
    %mul3A_76 = arith.constant 10240 : i32
    %mul3A_77 = arith.muli %arg0, %mul3A_76 : i32
    %mul3A_78 = arith.constant 640 : i32
    %mul3A_79 = arith.muli %arg1, %mul3A_78 : i32
    %add3A_80 = arith.addi %mul3A_77, %mul3A_79 : i32
    "tpu.region"() ({
      %run_scoped3A = tpu.sem_alloc : memref<!tpu.dma_semaphore, #tpu.memory_space<semaphore_mem>>
      %dma_start3A = tpu.memref_slice %arg8[%add3A_80] : memref<20480xf32, #tpu.memory_space<hbm>> -> memref<640xf32, #tpu.memory_space<hbm>>
      %dma_start3A_81 = tpu.memref_slice %arg14[%mul3A_75] : memref<10240xf32, #tpu.memory_space<vmem_shared>> -> memref<640xf32, #tpu.memory_space<vmem_shared>>
      tpu.enqueue_dma source(%dma_start3A_81 : memref<640xf32, #tpu.memory_space<vmem_shared>>) target(%dma_start3A : memref<640xf32, #tpu.memory_space<hbm>>) target_semaphore(%run_scoped3A : memref<!tpu.dma_semaphore, #tpu.memory_space<semaphore_mem>>)
      %dma_wait3A = tpu.memref_slice %arg8[%add3A_80] : memref<20480xf32, #tpu.memory_space<hbm>> -> memref<640xf32, #tpu.memory_space<hbm>>
      %dma_wait3A_82 = tpu.memref_slice %arg14[%mul3A_75] : memref<10240xf32, #tpu.memory_space<vmem_shared>> -> memref<640xf32, #tpu.memory_space<vmem_shared>>
      tpu.wait_dma2 semaphore(%run_scoped3A : memref<!tpu.dma_semaphore, #tpu.memory_space<semaphore_mem>>) src(%dma_wait3A_82 : memref<640xf32, #tpu.memory_space<vmem_shared>>) dst(%dma_wait3A : memref<640xf32, #tpu.memory_space<hbm>>)
      tpu.yield
    }) : () -> ()
    return
  }
}

#map = affine_map<(d0, d1) -> (0, 0)>
#map1 = affine_map<(d0, d1) -> (0)>
module attributes {stable_mosaic.version = 14 : i64} {
  func.func @_sc_agg_body(%arg0: i32, %arg1: i32, %arg2: memref<10240x128xf32, #tpu.memory_space<hbm>>, %arg3: memref<327680xi32, #tpu.memory_space<hbm>>, %arg4: memref<2560x128xi32, #tpu.memory_space<hbm>>, %arg5: memref<10240x128xf32, #tpu.memory_space<hbm>>, %arg6: memref<20480x128xf32, #tpu.memory_space<hbm>>, %arg7: memref<10240xi32, #tpu.memory_space<vmem>>, %arg8: memref<80x128xi32, #tpu.memory_space<vmem>>, %arg9: memref<128x128xf32, #tpu.memory_space<vmem>>, %arg10: memref<10240x128xf32, #tpu.memory_space<vmem_shared>>) attributes {dimension_semantics = [#tpu.dimension_semantics<core_parallel>, #tpu.dimension_semantics<subcore_parallel>], iteration_bounds = array<i64: 2, 16>, scalar_prefetch = 0 : i64, scratch_operands = 4 : i64, tpu.core_type = #tpu.core_type<sc_vector_subcore>, window_params = [{transform_indices = #map}, {transform_indices = #map1}, {transform_indices = #map}, {transform_indices = #map}, {transform_indices = #map}]} {
    %mul3A = arith.constant 16 : i32
    %mul3A_0 = arith.muli %arg0, %mul3A : i32
    %add3A = arith.addi %mul3A_0, %arg1 : i32
    %mul3A_1 = arith.constant 640 : i32
    %mul3A_2 = arith.muli %arg1, %mul3A_1 : i32
    %mul3A_3 = arith.constant 640 : i32
    %mul3A_4 = arith.muli %arg1, %mul3A_3 : i32
    "tpu.region"() ({
      %run_scoped3A = tpu.sem_alloc : memref<!tpu.dma_semaphore, #tpu.memory_space<semaphore_mem>>
      %dma_start3A = arith.constant 0 : i32
      %dma_start3A_24 = tpu.memref_slice %arg10[%mul3A_4, %dma_start3A] : memref<10240x128xf32, #tpu.memory_space<vmem_shared>> -> memref<640x128xf32, #tpu.memory_space<vmem_shared>>
      %dma_start3A_25 = arith.constant 0 : i32
      %dma_start3A_26 = tpu.memref_slice %arg5[%mul3A_2, %dma_start3A_25] : memref<10240x128xf32, #tpu.memory_space<hbm>> -> memref<640x128xf32, #tpu.memory_space<hbm>>
      tpu.enqueue_dma source(%dma_start3A_26 : memref<640x128xf32, #tpu.memory_space<hbm>>) target(%dma_start3A_24 : memref<640x128xf32, #tpu.memory_space<vmem_shared>>) target_semaphore(%run_scoped3A : memref<!tpu.dma_semaphore, #tpu.memory_space<semaphore_mem>>)
      %dma_wait3A = arith.constant 0 : i32
      %dma_wait3A_27 = tpu.memref_slice %arg10[%mul3A_4, %dma_wait3A] : memref<10240x128xf32, #tpu.memory_space<vmem_shared>> -> memref<640x128xf32, #tpu.memory_space<vmem_shared>>
      %dma_wait3A_28 = arith.constant 0 : i32
      %dma_wait3A_29 = tpu.memref_slice %arg5[%mul3A_2, %dma_wait3A_28] : memref<10240x128xf32, #tpu.memory_space<hbm>> -> memref<640x128xf32, #tpu.memory_space<hbm>>
      tpu.wait_dma2 semaphore(%run_scoped3A : memref<!tpu.dma_semaphore, #tpu.memory_space<semaphore_mem>>) src(%dma_wait3A_29 : memref<640x128xf32, #tpu.memory_space<hbm>>) dst(%dma_wait3A_27 : memref<640x128xf32, #tpu.memory_space<vmem_shared>>)
      tpu.yield
    }) : () -> ()
    %mul3A_5 = arith.constant 80 : i32
    %mul3A_6 = arith.muli %add3A, %mul3A_5 : i32
    %mul3A_7 = arith.constant 128 : i32
    %mul3A_8 = arith.muli %mul3A_6, %mul3A_7 : i32
    "tpu.region"() ({
      %run_scoped3A = tpu.sem_alloc : memref<!tpu.dma_semaphore, #tpu.memory_space<semaphore_mem>>
      %dma_start3A = tpu.memref_slice %arg3[%mul3A_8] : memref<327680xi32, #tpu.memory_space<hbm>> -> memref<10240xi32, #tpu.memory_space<hbm>>
      %dma_start3A_24 = tpu.memref_slice %arg3[%mul3A_8] : memref<327680xi32, #tpu.memory_space<hbm>> -> memref<10240xi32, #tpu.memory_space<hbm>>
      tpu.enqueue_dma source(%dma_start3A_24 : memref<10240xi32, #tpu.memory_space<hbm>>) target(%arg7 : memref<10240xi32, #tpu.memory_space<vmem>>) target_semaphore(%run_scoped3A : memref<!tpu.dma_semaphore, #tpu.memory_space<semaphore_mem>>)
      %dma_wait3A = tpu.memref_slice %arg3[%mul3A_8] : memref<327680xi32, #tpu.memory_space<hbm>> -> memref<10240xi32, #tpu.memory_space<hbm>>
      %dma_wait3A_25 = tpu.memref_slice %arg3[%mul3A_8] : memref<327680xi32, #tpu.memory_space<hbm>> -> memref<10240xi32, #tpu.memory_space<hbm>>
      tpu.wait_dma2 semaphore(%run_scoped3A : memref<!tpu.dma_semaphore, #tpu.memory_space<semaphore_mem>>) src(%dma_wait3A_25 : memref<10240xi32, #tpu.memory_space<hbm>>) dst(%arg7 : memref<10240xi32, #tpu.memory_space<vmem>>)
      tpu.yield
    }) : () -> ()
    %mul3A_9 = arith.constant 80 : i32
    %mul3A_10 = arith.muli %add3A, %mul3A_9 : i32
    "tpu.region"() ({
      %run_scoped3A = tpu.sem_alloc : memref<!tpu.dma_semaphore, #tpu.memory_space<semaphore_mem>>
      %dma_start3A = arith.constant 0 : i32
      %dma_start3A_24 = tpu.memref_slice %arg4[%mul3A_10, %dma_start3A] : memref<2560x128xi32, #tpu.memory_space<hbm>> -> memref<80x128xi32, #tpu.memory_space<hbm>>
      %dma_start3A_25 = arith.constant 0 : i32
      %dma_start3A_26 = tpu.memref_slice %arg4[%mul3A_10, %dma_start3A_25] : memref<2560x128xi32, #tpu.memory_space<hbm>> -> memref<80x128xi32, #tpu.memory_space<hbm>>
      tpu.enqueue_dma source(%dma_start3A_26 : memref<80x128xi32, #tpu.memory_space<hbm>>) target(%arg8 : memref<80x128xi32, #tpu.memory_space<vmem>>) target_semaphore(%run_scoped3A : memref<!tpu.dma_semaphore, #tpu.memory_space<semaphore_mem>>)
      %dma_wait3A = arith.constant 0 : i32
      %dma_wait3A_27 = tpu.memref_slice %arg4[%mul3A_10, %dma_wait3A] : memref<2560x128xi32, #tpu.memory_space<hbm>> -> memref<80x128xi32, #tpu.memory_space<hbm>>
      %dma_wait3A_28 = arith.constant 0 : i32
      %dma_wait3A_29 = tpu.memref_slice %arg4[%mul3A_10, %dma_wait3A_28] : memref<2560x128xi32, #tpu.memory_space<hbm>> -> memref<80x128xi32, #tpu.memory_space<hbm>>
      tpu.wait_dma2 semaphore(%run_scoped3A : memref<!tpu.dma_semaphore, #tpu.memory_space<semaphore_mem>>) src(%dma_wait3A_29 : memref<80x128xi32, #tpu.memory_space<hbm>>) dst(%arg8 : memref<80x128xi32, #tpu.memory_space<vmem>>)
      tpu.yield
    }) : () -> ()
    %barrier3A = arith.constant 0 : index
    tpu.barrier barrier_id(%barrier3A)
    %scan3A = arith.constant 0 : i32
    %scan3A_11 = arith.constant 0 : i32
    %scan3A_12 = arith.constant 80 : i32
    %scan3A_13 = arith.addi %scan3A_11, %scan3A_12 : i32
    %scan3A_14 = arith.constant 1 : i32
    scf.for %scan3A_24 = %scan3A_11 to %scan3A_13 step %scan3A_14  : i32 {
      %mul3A_25 = arith.constant 128 : i32
      %mul3A_26 = arith.muli %scan3A_24, %mul3A_25 : i32
      "tpu.region"() ({
        %run_scoped3A = tpu.sem_alloc : memref<!tpu.dma_semaphore, #tpu.memory_space<semaphore_mem>>
        %dma_start3A = tpu.memref_slice %arg7[%mul3A_26] : memref<10240xi32, #tpu.memory_space<vmem>> -> memref<128xi32, #tpu.memory_space<vmem>>
        %dma_start3A_27 = arith.constant 0 : i32
        %dma_start3A_28 = arith.constant 0 : i32
        %dma_start3A_29 = tpu.memref_slice %arg2[%dma_start3A_27, %dma_start3A_28] : memref<10240x128xf32, #tpu.memory_space<hbm>> -> memref<10240x128xf32, #tpu.memory_space<hbm>>
        tpu.enqueue_indirect_dma source(%dma_start3A_29 : memref<10240x128xf32, #tpu.memory_space<hbm>>) target(%arg9 : memref<128x128xf32, #tpu.memory_space<vmem>>) offsets(%dma_start3A : memref<128xi32, #tpu.memory_space<vmem>>) semaphore(%run_scoped3A : memref<!tpu.dma_semaphore, #tpu.memory_space<semaphore_mem>>)
        %dma_wait3A = tpu.memref_slice %arg7[%mul3A_26] : memref<10240xi32, #tpu.memory_space<vmem>> -> memref<128xi32, #tpu.memory_space<vmem>>
        %dma_wait3A_30 = arith.constant 0 : i32
        %dma_wait3A_31 = arith.constant 0 : i32
        %dma_wait3A_32 = tpu.memref_slice %arg2[%dma_wait3A_30, %dma_wait3A_31] : memref<10240x128xf32, #tpu.memory_space<hbm>> -> memref<10240x128xf32, #tpu.memory_space<hbm>>
        tpu.wait_indirect_dma semaphore(%run_scoped3A : memref<!tpu.dma_semaphore, #tpu.memory_space<semaphore_mem>>) src(%dma_wait3A_32 : memref<10240x128xf32, #tpu.memory_space<hbm>>) dst(%arg9 : memref<128x128xf32, #tpu.memory_space<vmem>>)
        tpu.yield
      }) : () -> ()
      "tpu.region"() ({
        %run_scoped3A = tpu.sem_alloc : memref<!tpu.dma_semaphore, #tpu.memory_space<semaphore_mem>>
        %dma_start3A = arith.constant 0 : i32
        %dma_start3A_27 = tpu.memref_slice %arg8[%scan3A_24, %dma_start3A] : memref<80x128xi32, #tpu.memory_space<vmem>> -> memref<1x128xi32, #tpu.memory_space<vmem>>
        %dma_start3A_28 = tpu.memref_squeeze %dma_start3A_27 : memref<1x128xi32, #tpu.memory_space<vmem>> -> memref<128xi32, #tpu.memory_space<vmem>>
        %dma_start3A_29 = arith.constant 0 : i32
        %dma_start3A_30 = arith.constant 0 : i32
        %dma_start3A_31 = tpu.memref_slice %arg10[%dma_start3A_29, %dma_start3A_30] : memref<10240x128xf32, #tpu.memory_space<vmem_shared>> -> memref<10240x128xf32, #tpu.memory_space<vmem_shared>>
        tpu.enqueue_indirect_dma source(%arg9 : memref<128x128xf32, #tpu.memory_space<vmem>>) target(%dma_start3A_31 : memref<10240x128xf32, #tpu.memory_space<vmem_shared>>) offsets(%dma_start3A_28 : memref<128xi32, #tpu.memory_space<vmem>>) semaphore(%run_scoped3A : memref<!tpu.dma_semaphore, #tpu.memory_space<semaphore_mem>>) {add = true}
        %dma_wait3A = arith.constant 0 : i32
        %dma_wait3A_32 = tpu.memref_slice %arg8[%scan3A_24, %dma_wait3A] : memref<80x128xi32, #tpu.memory_space<vmem>> -> memref<1x128xi32, #tpu.memory_space<vmem>>
        %dma_wait3A_33 = tpu.memref_squeeze %dma_wait3A_32 : memref<1x128xi32, #tpu.memory_space<vmem>> -> memref<128xi32, #tpu.memory_space<vmem>>
        %dma_wait3A_34 = arith.constant 0 : i32
        %dma_wait3A_35 = arith.constant 0 : i32
        %dma_wait3A_36 = tpu.memref_slice %arg10[%dma_wait3A_34, %dma_wait3A_35] : memref<10240x128xf32, #tpu.memory_space<vmem_shared>> -> memref<10240x128xf32, #tpu.memory_space<vmem_shared>>
        tpu.wait_indirect_dma semaphore(%run_scoped3A : memref<!tpu.dma_semaphore, #tpu.memory_space<semaphore_mem>>) src(%arg9 : memref<128x128xf32, #tpu.memory_space<vmem>>) dst(%dma_wait3A_36 : memref<10240x128xf32, #tpu.memory_space<vmem_shared>>)
        tpu.yield
      }) : () -> ()
    }
    %scan3A_15 = arith.constant 80 : i32
    %barrier3A_16 = arith.constant 0 : index
    tpu.barrier barrier_id(%barrier3A_16)
    %mul3A_17 = arith.constant 640 : i32
    %mul3A_18 = arith.muli %arg1, %mul3A_17 : i32
    %mul3A_19 = arith.constant 10240 : i32
    %mul3A_20 = arith.muli %arg0, %mul3A_19 : i32
    %mul3A_21 = arith.constant 640 : i32
    %mul3A_22 = arith.muli %arg1, %mul3A_21 : i32
    %add3A_23 = arith.addi %mul3A_20, %mul3A_22 : i32
    "tpu.region"() ({
      %run_scoped3A = tpu.sem_alloc : memref<!tpu.dma_semaphore, #tpu.memory_space<semaphore_mem>>
      %dma_start3A = arith.constant 0 : i32
      %dma_start3A_24 = tpu.memref_slice %arg6[%add3A_23, %dma_start3A] : memref<20480x128xf32, #tpu.memory_space<hbm>> -> memref<640x128xf32, #tpu.memory_space<hbm>>
      %dma_start3A_25 = arith.constant 0 : i32
      %dma_start3A_26 = tpu.memref_slice %arg10[%mul3A_18, %dma_start3A_25] : memref<10240x128xf32, #tpu.memory_space<vmem_shared>> -> memref<640x128xf32, #tpu.memory_space<vmem_shared>>
      tpu.enqueue_dma source(%dma_start3A_26 : memref<640x128xf32, #tpu.memory_space<vmem_shared>>) target(%dma_start3A_24 : memref<640x128xf32, #tpu.memory_space<hbm>>) target_semaphore(%run_scoped3A : memref<!tpu.dma_semaphore, #tpu.memory_space<semaphore_mem>>)
      %dma_wait3A = arith.constant 0 : i32
      %dma_wait3A_27 = tpu.memref_slice %arg6[%add3A_23, %dma_wait3A] : memref<20480x128xf32, #tpu.memory_space<hbm>> -> memref<640x128xf32, #tpu.memory_space<hbm>>
      %dma_wait3A_28 = arith.constant 0 : i32
      %dma_wait3A_29 = tpu.memref_slice %arg10[%mul3A_18, %dma_wait3A_28] : memref<10240x128xf32, #tpu.memory_space<vmem_shared>> -> memref<640x128xf32, #tpu.memory_space<vmem_shared>>
      tpu.wait_dma2 semaphore(%run_scoped3A : memref<!tpu.dma_semaphore, #tpu.memory_space<semaphore_mem>>) src(%dma_wait3A_29 : memref<640x128xf32, #tpu.memory_space<vmem_shared>>) dst(%dma_wait3A_27 : memref<640x128xf32, #tpu.memory_space<hbm>>)
      tpu.yield
    }) : () -> ()
    return
  }
}

module attributes {stable_mosaic.version = 14 : i64} {
  func.func @_combine_body(%arg0: i32, %arg1: memref<1024x128xf32, #tpu.memory_space<vmem>>, %arg2: memref<1024x128xf32, #tpu.memory_space<vmem>>, %arg3: memref<1024x128xf32, #tpu.memory_space<vmem>>, %arg4: memref<1024x1xf32, #tpu.memory_space<vmem>>, %arg5: memref<1024x1xf32, #tpu.memory_space<vmem>>, %arg6: memref<128x128xf32, #tpu.memory_space<vmem>>, %arg7: memref<128x128xf32, #tpu.memory_space<vmem>>, %arg8: memref<1x128xf32, #tpu.memory_space<vmem>>, %arg9: memref<1024x128xf32, #tpu.memory_space<vmem>>) attributes {dimension_semantics = [#tpu.dimension_semantics<arbitrary>], iteration_bounds = array<i64: 10>, scalar_prefetch = 0 : i64, scratch_operands = 0 : i64, tpu.core_type = #tpu.core_type<tc>, window_params = [{transform_indices = @transform_0, window_bounds = array<i64: 1024, 128>}, {transform_indices = @transform_1, window_bounds = array<i64: 1024, 128>}, {transform_indices = @transform_2, window_bounds = array<i64: 1024, 128>}, {transform_indices = @transform_3, window_bounds = array<i64: 1024, 1>}, {transform_indices = @transform_4, window_bounds = array<i64: 1024, 1>}, {pipeline_mode = #tpu.pipeline_mode<synchronous>, transform_indices = @transform_5, window_bounds = array<i64: 128, 128>}, {pipeline_mode = #tpu.pipeline_mode<synchronous>, transform_indices = @transform_6, window_bounds = array<i64: 128, 128>}, {pipeline_mode = #tpu.pipeline_mode<synchronous>, transform_indices = @transform_7, window_bounds = array<i64: 1, 128>}, {transform_indices = @transform_8, window_bounds = array<i64: 1024, 128>}]} {
    %get3A = arith.constant 0 : index
    %get3A_0 = arith.constant 0 : index
    %get3A_1 = vector.load %arg4[%get3A, %get3A_0] : memref<1024x1xf32, #tpu.memory_space<vmem>>, vector<1024x1xf32>
    %get3A_2 = arith.constant 0 : index
    %get3A_3 = arith.constant 0 : index
    %get3A_4 = vector.load %arg5[%get3A_2, %get3A_3] : memref<1024x1xf32, #tpu.memory_space<vmem>>, vector<1024x1xf32>
    %add3A = arith.addf %get3A_1, %get3A_4 : vector<1024x1xf32>
    %max3A = arith.constant 1.000000e+00 : f32
    %max3A_5 = vector.broadcast %max3A : f32 to vector<1024x1xf32>
    %max3A_6 = arith.maximumf %add3A, %max3A_5 : vector<1024x1xf32>
    %div3A = arith.constant 1.000000e+00 : f32
    %div3A_7 = vector.broadcast %div3A : f32 to vector<1024x1xf32>
    %div3A_8 = arith.divf %div3A_7, %max3A_6 : vector<1024x1xf32>
    %get3A_9 = arith.constant 0 : index
    %get3A_10 = arith.constant 0 : index
    %get3A_11 = vector.load %arg2[%get3A_9, %get3A_10] : memref<1024x128xf32, #tpu.memory_space<vmem>>, vector<1024x128xf32>
    %get3A_12 = arith.constant 0 : index
    %get3A_13 = arith.constant 0 : index
    %get3A_14 = vector.load %arg3[%get3A_12, %get3A_13] : memref<1024x128xf32, #tpu.memory_space<vmem>>, vector<1024x128xf32>
    %add3A_15 = arith.addf %get3A_11, %get3A_14 : vector<1024x128xf32>
    %mul3A = vector.broadcast %div3A_8 : vector<1024x1xf32> to vector<1024x128xf32>
    %mul3A_16 = arith.mulf %add3A_15, %mul3A : vector<1024x128xf32>
    %get3A_17 = arith.constant 0 : index
    %get3A_18 = arith.constant 0 : index
    %get3A_19 = vector.load %arg1[%get3A_17, %get3A_18] : memref<1024x128xf32, #tpu.memory_space<vmem>>, vector<1024x128xf32>
    %get3A_20 = arith.constant 0 : index
    %get3A_21 = arith.constant 0 : index
    %get3A_22 = vector.load %arg6[%get3A_20, %get3A_21] : memref<128x128xf32, #tpu.memory_space<vmem>>, vector<128x128xf32>
    %dot_general3A = arith.constant dense<0.000000e+00> : vector<1024x128xf32>
    %dot_general3A_23 = tpu.matmul %get3A_19, %get3A_22, %dot_general3A {dimension_numbers = #tpu.dot_dimension_numbers<[1], [0], [0], [1], [0, 0, 1, 1], [], []>, transpose_lhs_hint = false} : vector<1024x128xf32>, vector<128x128xf32>, vector<1024x128xf32> -> vector<1024x128xf32>
    %get3A_24 = arith.constant 0 : index
    %get3A_25 = arith.constant 0 : index
    %get3A_26 = vector.load %arg7[%get3A_24, %get3A_25] : memref<128x128xf32, #tpu.memory_space<vmem>>, vector<128x128xf32>
    %dot_general3A_27 = arith.constant dense<0.000000e+00> : vector<1024x128xf32>
    %dot_general3A_28 = tpu.matmul %mul3A_16, %get3A_26, %dot_general3A_27 {dimension_numbers = #tpu.dot_dimension_numbers<[1], [0], [0], [1], [0, 0, 1, 1], [], []>, transpose_lhs_hint = false} : vector<1024x128xf32>, vector<128x128xf32>, vector<1024x128xf32> -> vector<1024x128xf32>
    %add3A_29 = arith.addf %dot_general3A_23, %dot_general3A_28 : vector<1024x128xf32>
    %get3A_30 = arith.constant 0 : index
    %get3A_31 = arith.constant 0 : index
    %get3A_32 = vector.load %arg8[%get3A_30, %get3A_31] : memref<1x128xf32, #tpu.memory_space<vmem>>, vector<1x128xf32>
    %add3A_33 = vector.broadcast %get3A_32 : vector<1x128xf32> to vector<1024x128xf32>
    %add3A_34 = arith.addf %add3A_29, %add3A_33 : vector<1024x128xf32>
    %max3A_35 = arith.constant 0.000000e+00 : f32
    %max3A_36 = vector.broadcast %max3A_35 : f32 to vector<1024x128xf32>
    %max3A_37 = arith.maximumf %add3A_34, %max3A_36 : vector<1024x128xf32>
    %swap3A = arith.constant 0 : index
    %swap3A_38 = arith.constant 0 : index
    %swap3A_39 = vector.load %arg9[%swap3A, %swap3A_38] : memref<1024x128xf32, #tpu.memory_space<vmem>>, vector<1024x128xf32>
    tpu.vector_store %arg9[%swap3A, %swap3A_38], %max3A_37 {strides = array<i32>} : memref<1024x128xf32, #tpu.memory_space<vmem>>, vector<1024x128xf32>,
    return
  }
  func.func @transform_0(%arg0: i32) -> (i32, i32) {
    %c0_i32 = arith.constant 0 : i32
    %c0_i32_0 = arith.constant 0 : i32
    return %arg0, %c0_i32 : i32, i32
  }
  func.func @transform_1(%arg0: i32) -> (i32, i32) {
    %c0_i32 = arith.constant 0 : i32
    %c0_i32_0 = arith.constant 0 : i32
    return %arg0, %c0_i32 : i32, i32
  }
  func.func @transform_2(%arg0: i32) -> (i32, i32) {
    %add3A = arith.constant 10 : i32
    %add3A_0 = arith.addi %arg0, %add3A : i32
    %c0_i32 = arith.constant 0 : i32
    %c0_i32_1 = arith.constant 0 : i32
    return %add3A_0, %c0_i32 : i32, i32
  }
  func.func @transform_3(%arg0: i32) -> (i32, i32) {
    %c0_i32 = arith.constant 0 : i32
    %c0_i32_0 = arith.constant 0 : i32
    return %arg0, %c0_i32 : i32, i32
  }
  func.func @transform_4(%arg0: i32) -> (i32, i32) {
    %add3A = arith.constant 10 : i32
    %add3A_0 = arith.addi %arg0, %add3A : i32
    %c0_i32 = arith.constant 0 : i32
    %c0_i32_1 = arith.constant 0 : i32
    return %add3A_0, %c0_i32 : i32, i32
  }
  func.func @transform_5(%arg0: i32) -> (i32, i32) {
    %c0_i32 = arith.constant 0 : i32
    %c0_i32_0 = arith.constant 0 : i32
    %c0_i32_1 = arith.constant 0 : i32
    return %c0_i32, %c0_i32_0 : i32, i32
  }
  func.func @transform_6(%arg0: i32) -> (i32, i32) {
    %c0_i32 = arith.constant 0 : i32
    %c0_i32_0 = arith.constant 0 : i32
    %c0_i32_1 = arith.constant 0 : i32
    return %c0_i32, %c0_i32_0 : i32, i32
  }
  func.func @transform_7(%arg0: i32) -> (i32, i32) {
    %c0_i32 = arith.constant 0 : i32
    %c0_i32_0 = arith.constant 0 : i32
    %c0_i32_1 = arith.constant 0 : i32
    return %c0_i32, %c0_i32_0 : i32, i32
  }
  func.func @transform_8(%arg0: i32) -> (i32, i32) {
    %c0_i32 = arith.constant 0 : i32
    %c0_i32_0 = arith.constant 0 : i32
    return %arg0, %c0_i32 : i32, i32
  }
}

module attributes {stable_mosaic.version = 14 : i64} {
  func.func @_combine_body(%arg0: i32, %arg1: memref<1024x128xf32, #tpu.memory_space<vmem>>, %arg2: memref<1024x128xf32, #tpu.memory_space<vmem>>, %arg3: memref<1024x128xf32, #tpu.memory_space<vmem>>, %arg4: memref<1024x1xf32, #tpu.memory_space<vmem>>, %arg5: memref<1024x1xf32, #tpu.memory_space<vmem>>, %arg6: memref<128x128xf32, #tpu.memory_space<vmem>>, %arg7: memref<128x128xf32, #tpu.memory_space<vmem>>, %arg8: memref<1x128xf32, #tpu.memory_space<vmem>>, %arg9: memref<1x1x128xf32, #tpu.memory_space<vmem>>) attributes {dimension_semantics = [#tpu.dimension_semantics<arbitrary>], iteration_bounds = array<i64: 10>, scalar_prefetch = 0 : i64, scratch_operands = 0 : i64, tpu.core_type = #tpu.core_type<tc>, window_params = [{transform_indices = @transform_0, window_bounds = array<i64: 1024, 128>}, {transform_indices = @transform_1, window_bounds = array<i64: 1024, 128>}, {transform_indices = @transform_2, window_bounds = array<i64: 1024, 128>}, {transform_indices = @transform_3, window_bounds = array<i64: 1024, 1>}, {transform_indices = @transform_4, window_bounds = array<i64: 1024, 1>}, {pipeline_mode = #tpu.pipeline_mode<synchronous>, transform_indices = @transform_5, window_bounds = array<i64: 128, 128>}, {pipeline_mode = #tpu.pipeline_mode<synchronous>, transform_indices = @transform_6, window_bounds = array<i64: 128, 128>}, {pipeline_mode = #tpu.pipeline_mode<synchronous>, transform_indices = @transform_7, window_bounds = array<i64: 1, 128>}, {transform_indices = @transform_8, window_bounds = array<i64: 1, 1, 128>}]} {
    %get3A = arith.constant 0 : index
    %get3A_0 = arith.constant 0 : index
    %get3A_1 = vector.load %arg4[%get3A, %get3A_0] : memref<1024x1xf32, #tpu.memory_space<vmem>>, vector<1024x1xf32>
    %get3A_2 = arith.constant 0 : index
    %get3A_3 = arith.constant 0 : index
    %get3A_4 = vector.load %arg5[%get3A_2, %get3A_3] : memref<1024x1xf32, #tpu.memory_space<vmem>>, vector<1024x1xf32>
    %add3A = arith.addf %get3A_1, %get3A_4 : vector<1024x1xf32>
    %max3A = arith.constant 1.000000e+00 : f32
    %max3A_5 = vector.broadcast %max3A : f32 to vector<1024x1xf32>
    %max3A_6 = arith.maximumf %add3A, %max3A_5 : vector<1024x1xf32>
    %div3A = arith.constant 1.000000e+00 : f32
    %div3A_7 = vector.broadcast %div3A : f32 to vector<1024x1xf32>
    %div3A_8 = arith.divf %div3A_7, %max3A_6 : vector<1024x1xf32>
    %get3A_9 = arith.constant 0 : index
    %get3A_10 = arith.constant 0 : index
    %get3A_11 = vector.load %arg2[%get3A_9, %get3A_10] : memref<1024x128xf32, #tpu.memory_space<vmem>>, vector<1024x128xf32>
    %get3A_12 = arith.constant 0 : index
    %get3A_13 = arith.constant 0 : index
    %get3A_14 = vector.load %arg3[%get3A_12, %get3A_13] : memref<1024x128xf32, #tpu.memory_space<vmem>>, vector<1024x128xf32>
    %add3A_15 = arith.addf %get3A_11, %get3A_14 : vector<1024x128xf32>
    %mul3A = vector.broadcast %div3A_8 : vector<1024x1xf32> to vector<1024x128xf32>
    %mul3A_16 = arith.mulf %add3A_15, %mul3A : vector<1024x128xf32>
    %get3A_17 = arith.constant 0 : index
    %get3A_18 = arith.constant 0 : index
    %get3A_19 = vector.load %arg1[%get3A_17, %get3A_18] : memref<1024x128xf32, #tpu.memory_space<vmem>>, vector<1024x128xf32>
    %get3A_20 = arith.constant 0 : index
    %get3A_21 = arith.constant 0 : index
    %get3A_22 = vector.load %arg6[%get3A_20, %get3A_21] : memref<128x128xf32, #tpu.memory_space<vmem>>, vector<128x128xf32>
    %dot_general3A = arith.constant dense<0.000000e+00> : vector<1024x128xf32>
    %dot_general3A_23 = tpu.matmul %get3A_19, %get3A_22, %dot_general3A {dimension_numbers = #tpu.dot_dimension_numbers<[1], [0], [0], [1], [0, 0, 1, 1], [], []>, transpose_lhs_hint = false} : vector<1024x128xf32>, vector<128x128xf32>, vector<1024x128xf32> -> vector<1024x128xf32>
    %get3A_24 = arith.constant 0 : index
    %get3A_25 = arith.constant 0 : index
    %get3A_26 = vector.load %arg7[%get3A_24, %get3A_25] : memref<128x128xf32, #tpu.memory_space<vmem>>, vector<128x128xf32>
    %dot_general3A_27 = arith.constant dense<0.000000e+00> : vector<1024x128xf32>
    %dot_general3A_28 = tpu.matmul %mul3A_16, %get3A_26, %dot_general3A_27 {dimension_numbers = #tpu.dot_dimension_numbers<[1], [0], [0], [1], [0, 0, 1, 1], [], []>, transpose_lhs_hint = false} : vector<1024x128xf32>, vector<128x128xf32>, vector<1024x128xf32> -> vector<1024x128xf32>
    %add3A_29 = arith.addf %dot_general3A_23, %dot_general3A_28 : vector<1024x128xf32>
    %get3A_30 = arith.constant 0 : index
    %get3A_31 = arith.constant 0 : index
    %get3A_32 = vector.load %arg8[%get3A_30, %get3A_31] : memref<1x128xf32, #tpu.memory_space<vmem>>, vector<1x128xf32>
    %add3A_33 = vector.broadcast %get3A_32 : vector<1x128xf32> to vector<1024x128xf32>
    %add3A_34 = arith.addf %add3A_29, %add3A_33 : vector<1024x128xf32>
    %max3A_35 = arith.constant 0.000000e+00 : f32
    %max3A_36 = vector.broadcast %max3A_35 : f32 to vector<1024x128xf32>
    %max3A_37 = arith.maximumf %add3A_34, %max3A_36 : vector<1024x128xf32>
    %mul3A_38 = arith.constant 1024 : i32
    %mul3A_39 = arith.muli %arg0, %mul3A_38 : i32
    %iota3A = tpu.iota {dimensions = array<i32: 0>} : vector<1024x1xi32>
    %add3A_40 = vector.broadcast %mul3A_39 : i32 to vector<1024x1xi32>
    %add3A_41 = arith.addi %add3A_40, %iota3A : vector<1024x1xi32>
    %lt3A = arith.constant 10000 : i32
    %lt3A_42 = vector.broadcast %lt3A : i32 to vector<1024x1xi32>
    %lt3A_43 = arith.cmpi slt, %add3A_41, %lt3A_42 : vector<1024x1xi32>
    %jit3A = arith.constant 0.000000e+00 : f32
    %broadcast_in_dim3A = vector.shape_cast %lt3A_43 : vector<1024x1xi1> to vector<1024x1xi1>
    %broadcast_in_dim3A_44 = vector.broadcast %broadcast_in_dim3A : vector<1024x1xi1> to vector<1024x128xi1>
    %broadcast_in_dim3A_45 = vector.broadcast %jit3A : f32 to vector<1024x128xf32>
    %select_n3A = arith.select %broadcast_in_dim3A_44, %max3A_37, %broadcast_in_dim3A_45 : vector<1024x128xi1>, vector<1024x128xf32>
    %reduce_sum3A = arith.constant dense<0.000000e+00> : vector<128xf32>
    %reduce_sum3A_46 = vector.multi_reduction <add>, %select_n3A, %reduce_sum3A [0] : vector<1024x128xf32> to vector<128xf32>
    %broadcast_in_dim3A_47 = vector.shape_cast %reduce_sum3A_46 : vector<128xf32> to vector<1x128xf32>
    %broadcast_in_dim3A_48 = vector.shape_cast %broadcast_in_dim3A_47 : vector<1x128xf32> to vector<1x1x128xf32>
    %swap3A = arith.constant 0 : index
    %swap3A_49 = arith.constant 0 : index
    %swap3A_50 = arith.constant 0 : index
    %swap3A_51 = vector.load %arg9[%swap3A, %swap3A_49, %swap3A_50] : memref<1x1x128xf32, #tpu.memory_space<vmem>>, vector<1x1x128xf32>
    tpu.vector_store %arg9[%swap3A, %swap3A_49, %swap3A_50], %broadcast_in_dim3A_48 {strides = array<i32>} : memref<1x1x128xf32, #tpu.memory_space<vmem>>, vector<1x1x128xf32>,
    return
  }
  func.func @transform_0(%arg0: i32) -> (i32, i32) {
    %c0_i32 = arith.constant 0 : i32
    %c0_i32_0 = arith.constant 0 : i32
    return %arg0, %c0_i32 : i32, i32
  }
  func.func @transform_1(%arg0: i32) -> (i32, i32) {
    %c0_i32 = arith.constant 0 : i32
    %c0_i32_0 = arith.constant 0 : i32
    return %arg0, %c0_i32 : i32, i32
  }
  func.func @transform_2(%arg0: i32) -> (i32, i32) {
    %add3A = arith.constant 10 : i32
    %add3A_0 = arith.addi %arg0, %add3A : i32
    %c0_i32 = arith.constant 0 : i32
    %c0_i32_1 = arith.constant 0 : i32
    return %add3A_0, %c0_i32 : i32, i32
  }
  func.func @transform_3(%arg0: i32) -> (i32, i32) {
    %c0_i32 = arith.constant 0 : i32
    %c0_i32_0 = arith.constant 0 : i32
    return %arg0, %c0_i32 : i32, i32
  }
  func.func @transform_4(%arg0: i32) -> (i32, i32) {
    %add3A = arith.constant 10 : i32
    %add3A_0 = arith.addi %arg0, %add3A : i32
    %c0_i32 = arith.constant 0 : i32
    %c0_i32_1 = arith.constant 0 : i32
    return %add3A_0, %c0_i32 : i32, i32
  }
  func.func @transform_5(%arg0: i32) -> (i32, i32) {
    %c0_i32 = arith.constant 0 : i32
    %c0_i32_0 = arith.constant 0 : i32
    %c0_i32_1 = arith.constant 0 : i32
    return %c0_i32, %c0_i32_0 : i32, i32
  }
  func.func @transform_6(%arg0: i32) -> (i32, i32) {
    %c0_i32 = arith.constant 0 : i32
    %c0_i32_0 = arith.constant 0 : i32
    %c0_i32_1 = arith.constant 0 : i32
    return %c0_i32, %c0_i32_0 : i32, i32
  }
  func.func @transform_7(%arg0: i32) -> (i32, i32) {
    %c0_i32 = arith.constant 0 : i32
    %c0_i32_0 = arith.constant 0 : i32
    %c0_i32_1 = arith.constant 0 : i32
    return %c0_i32, %c0_i32_0 : i32, i32
  }
  func.func @transform_8(%arg0: i32) -> (i32, i32, i32) {
    %c0_i32 = arith.constant 0 : i32
    %c0_i32_0 = arith.constant 0 : i32
    %c0_i32_1 = arith.constant 0 : i32
    return %arg0, %c0_i32, %c0_i32_0 : i32, i32, i32
  }
}

module attributes {stable_mosaic.version = 14 : i64} {
  func.func @_readout_body(%arg0: memref<10x1x128xf32, #tpu.memory_space<vmem>>, %arg1: memref<128x10xf32, #tpu.memory_space<vmem>>, %arg2: memref<1x10xf32, #tpu.memory_space<vmem>>, %arg3: memref<1x10xf32, #tpu.memory_space<vmem>>) attributes {dimension_semantics = [], scalar_prefetch = 0 : i64, scratch_operands = 0 : i64, tpu.core_type = #tpu.core_type<tc>} {
    %get3A = arith.constant 0 : index
    %get3A_0 = arith.constant 0 : index
    %get3A_1 = arith.constant 0 : index
    %get3A_2 = vector.load %arg0[%get3A, %get3A_0, %get3A_1] : memref<10x1x128xf32, #tpu.memory_space<vmem>>, vector<10x1x128xf32>
    %reduce_sum3A = arith.constant dense<0.000000e+00> : vector<1x128xf32>
    %reduce_sum3A_3 = vector.multi_reduction <add>, %get3A_2, %reduce_sum3A [0] : vector<10x1x128xf32> to vector<1x128xf32>
    %mul3A = arith.constant 9.99999974E-5 : f32
    %mul3A_4 = vector.broadcast %mul3A : f32 to vector<1x128xf32>
    %mul3A_5 = arith.mulf %reduce_sum3A_3, %mul3A_4 : vector<1x128xf32>
    %get3A_6 = arith.constant 0 : index
    %get3A_7 = arith.constant 0 : index
    %get3A_8 = vector.load %arg1[%get3A_6, %get3A_7] : memref<128x10xf32, #tpu.memory_space<vmem>>, vector<128x10xf32>
    %dot_general3A = arith.constant dense<0.000000e+00> : vector<1x10xf32>
    %dot_general3A_9 = tpu.matmul %mul3A_5, %get3A_8, %dot_general3A {dimension_numbers = #tpu.dot_dimension_numbers<[1], [0], [0], [1], [0, 0, 1, 1], [], []>, transpose_lhs_hint = false} : vector<1x128xf32>, vector<128x10xf32>, vector<1x10xf32> -> vector<1x10xf32>
    %get3A_10 = arith.constant 0 : index
    %get3A_11 = arith.constant 0 : index
    %get3A_12 = vector.load %arg2[%get3A_10, %get3A_11] : memref<1x10xf32, #tpu.memory_space<vmem>>, vector<1x10xf32>
    %add3A = arith.addf %dot_general3A_9, %get3A_12 : vector<1x10xf32>
    %swap3A = arith.constant 0 : index
    %swap3A_13 = arith.constant 0 : index
    %swap3A_14 = vector.load %arg3[%swap3A, %swap3A_13] : memref<1x10xf32, #tpu.memory_space<vmem>>, vector<1x10xf32>
    tpu.vector_store %arg3[%swap3A, %swap3A_13], %add3A {strides = array<i32>} : memref<1x10xf32, #tpu.memory_space<vmem>>, vector<1x10xf32>,
    return
  }
}

</mosaic_0001>

<sc_bundles>
// kernel: kernel.12.cloned.1.call-start
scs
__scs_entry_jumppad:
0x0: {  	(pc) =	sbr.rel $0x88, $3  }
0x1: {  	(tag) =	ssettag $0x0;
	lr =	simm.s32 $0x1  }
0x2: {  	[smem:$0x3F94] =	sst lr;
	_ =	strace $0xD0000000  }
0x3: {  	_ = 	snop  }
0x4: {  	_ = 	snop  }
0x5: {  	_ = 	snop  }
0x6: {  	_ = 	snop  }
0x7: {  	_ = 	snop  }
__scs_overlays_trampoline_lowered:
0x8: {  	[smem:$0x3FA3] =	sst s0  }
0x9: {  	[smem:$0x3FA4] =	sst s1  }
0xa: {  	[smem:$0x3FA5] =	sst s2  }
0xb: {  	[smem:$0x3FA6] =	sst s3  }
0xc: {  	[smem:$0x3FA7] =	sst s4  }
0xd: {  	[smem:$0x3FA8] =	sst s5  }
0xe: {  	[smem:$0x3FA9] =	sst s6  }
0xf: {  	[smem:$0x3FAA] =	sst s7  }
0x10: {  	[smem:$0x3FAB] =	sst s8  }
0x11: {  	[smem:$0x3FAC] =	sst s9;
	s0 =	simm.s32 @!p0 $0x0  }
0x12: {  	s1 =	sld [smem:$0x3F92];
	s0 =	simm.s32 @p0 $0x1  }
0x13: {  	[smem:$0x3FAD] =	sst s0;
	s0 =	simm.s32 @!p1 $0x0  }
0x14: {  	s2 =	sld [smem:$0x3F91];
	s0 =	simm.s32 @p1 $0x1  }
0x15: {  	[smem:$0x3FAE] =	sst s0;
	s0 =	simm.s32 @!p2 $0x0  }
0x16: {  	s3 =	sld [smem:$0x3FDB];
	s0 =	simm.s32 @p2 $0x1  }
0x17: {  	s4 =	simm.s32 $0x1BF5;
	[smem:$0x3FB0] =	sst s0  }
0x18: {  	s0 =	sld [smem:$0x3F93];
	_ =	swait.ge [sflag:s4], $0x0  }
0x19: {  	s7 =	sld [smem:$0x3F94]  }
0x1a: {  	s8 =	sadd.s32 $0xFFFFE003, lr  }
0x1b: {  	s9 =	sadd.s32 $0xFFFFFEF7, lr;
	s5 =	simm.s32 $0xFFFFFFFF;
	p2 =	slt.u32 s8, $0xFFFFF086  }
0x1c: {  	p1 =	slt.u32 s9, $0xF7A;
	s5 =	simm.s32 @!p2 $0x0  }
0x1d: {  	s5 =	simm.s32 @p1 $0x1;
	p0 =	seq.s32 s7, s2  }
0x1e: {  	s7 =	smul.u32 @!p0 $0xF7A, s2;
	p2 =	seq.s32 @!p0 s5, $0x0  }
0x1f: {  	s9 =	smul.u32 $0xF7A, s1;
	s8 =	simm.s32 @!p0 $0x1BF5;
	p2 =	por !p2, p0  }
0x20: {  	[sflag:s8] =	ssyncset.s32 @!p0 $0xFFFFF086;
	s6 =	sadd.s32 @!p0 s3, s7;
	s7 =	simm.s32 @!p0 $0x108  }
0x21: {  	s3 =	sadd.s32 s3, s9;
	s6 =	sadd.s32 @!p0 $0x88, s6;
	s7 =	simm.s32 @p2 $0x1082  }
0x22: {  	[simem:s7], [sflag:s8] =	dma.local @!p0 [hbm:s6], $0xF7A  }
0x23: {  	s9 =	sor.u32 $0xD0000000, s2;
	s6 =	simm.s32 $0x108;
	_ =	swait.ge @!p0 [sflag:s8], $0x0  }
0x24: {  	s3 =	sadd.s32 $0x88, s3;
	s6 =	simm.s32 @!p1 $0x1082;
	[sflag:s4] =	ssyncset.s32 $0xFFFFF086  }
0x25: {  	[simem:s6], [sflag:s4] =	dma.local [hbm:s3], $0xF7A  }
0x26: {  	[smem:$0x3F94] =	sst s1;
	(tag) =	ssettag s2;
	_ =	strace s9  }
0x27: {  	s1 =	sld [smem:$0x3FA4]  }
0x28: {  	s2 =	sld [smem:$0x3FA5]  }
0x29: {  	s4 =	sld [smem:$0x3FA7]  }
0x2a: {  	p0 =	seq.s32 s5, $0x0;
	s5 =	sld [smem:$0x3FA8]  }
0x2b: {  	s6 =	sld [smem:$0x3FA9]  }
0x2c: {  	s7 =	sld [smem:$0x3FAA]  }
0x2d: {  	s3 =	simm.s32 $0x108;
	s8 =	sld [smem:$0x3FAB]  }
0x2e: {  	s3 =	simm.s32 @!p0 $0x1082;
	s9 =	sld [smem:$0x3FAC]  }
0x2f: {  	lr =	sadd.s32 s0, s3;
	s0 =	sld [smem:$0x3FA3]  }
0x30: {  	s3 =	sld [smem:$0x3FA6]  }
0x31: {  	[smem:$0x3FAF] =	sst s10  }
0x32: {  	s10 =	sld [smem:$0x3FAD];
	_ =	sdelay $0x3  }
0x33: {  	p0 =	seq.s32 s10, $0x1;
	s10 =	sld [smem:$0x3FAF];
	_ =	sdelay $0x3  }
0x34: {  	[smem:$0x3FAF] =	sst s10  }
0x35: {  	s10 =	sld [smem:$0x3FAE];
	_ =	sdelay $0x3  }
0x36: {  	p1 =	seq.s32 s10, $0x1;
	s10 =	sld [smem:$0x3FAF];
	_ =	sdelay $0x3  }
0x37: {  	[smem:$0x3FAF] =	sst s10  }
0x38: {  	s10 =	sld [smem:$0x3FB0]  }
0x39: {  	_ = 	snop;
	(pc) =	sbr.ind lr, $3  }
0x3a: {  	_ = 	snop  }
0x3b: {  	_ = 	snop  }
0x3c: {  	p2 =	seq.s32 s10, $0x1;
	s10 =	sld [smem:$0x3FAF]  }
0x3d: {  	_ =	shalt  }
0x3e: {  	_ =	shalt  }
0x3f: {  	_ =	shalt  }
0x40: {  	_ =	shalt  }
0x41: {  	_ =	shalt  }
0x42: {  	_ =	shalt  }
0x43: {  	_ =	shalt  }
0x44: {  	_ =	shalt  }
0x45: {  	_ =	shalt  }
0x46: {  	_ =	shalt  }
0x47: {  	_ =	shalt  }
0x48: {  	_ =	shalt  }
0x49: {  	_ =	shalt  }
0x4a: {  	_ =	shalt  }
0x4b: {  	_ =	shalt  }
0x4c: {  	_ =	shalt  }
0x4d: {  	_ =	shalt  }
0x4e: {  	_ =	shalt  }
0x4f: {  	_ =	shalt  }
0x50: {  	_ =	shalt  }
0x51: {  	_ =	shalt  }
0x52: {  	_ =	shalt  }
0x53: {  	_ =	shalt  }
0x54: {  	_ =	shalt  }
0x55: {  	_ =	shalt  }
0x56: {  	_ =	shalt  }
0x57: {  	_ =	shalt  }
0x58: {  	_ =	shalt  }
0x59: {  	_ =	shalt  }
0x5a: {  	_ =	shalt  }
0x5b: {  	_ =	shalt  }
0x5c: {  	_ =	shalt  }
0x5d: {  	_ =	shalt  }
0x5e: {  	_ =	shalt  }
0x5f: {  	_ =	shalt  }
0x60: {  	_ =	shalt  }
0x61: {  	_ =	shalt  }
0x62: {  	_ =	shalt  }
0x63: {  	_ =	shalt  }
0x64: {  	_ =	shalt  }
0x65: {  	_ =	shalt  }
0x66: {  	_ =	shalt  }
0x67: {  	_ =	shalt  }
0x68: {  	_ =	shalt  }
0x69: {  	_ =	shalt  }
0x6a: {  	_ =	shalt  }
0x6b: {  	_ =	shalt  }
0x6c: {  	_ =	shalt  }
0x6d: {  	_ =	shalt  }
0x6e: {  	_ =	shalt  }
0x6f: {  	_ =	shalt  }
0x70: {  	_ =	shalt  }
0x71: {  	_ =	shalt  }
0x72: {  	_ =	shalt  }
0x73: {  	_ =	shalt  }
0x74: {  	_ =	shalt  }
0x75: {  	_ =	shalt  }
0x76: {  	_ =	shalt  }
0x77: {  	_ =	shalt  }
0x78: {  	_ =	shalt  }
0x79: {  	_ =	shalt  }
0x7a: {  	_ =	shalt  }
0x7b: {  	_ =	shalt  }
0x7c: {  	_ =	shalt  }
0x7d: {  	_ =	shalt  }
0x7e: {  	_ =	shalt  }
0x7f: {  	_ =	shalt  }
0x80: {  	_ =	shalt  }
0x81: {  	_ =	shalt  }
0x82: {  	_ =	shalt  }
0x83: {  	_ =	shalt  }
0x84: {  	_ =	shalt  }
0x85: {  	_ =	shalt  }
0x86: {  	_ =	shalt  }
0x87: {  	_ =	shalt  }
.Lfunc_end0:
.L_simem_size_0:
called_computation.1_lowered:
.L_overlay_start_0:
0x88: {  	s2 =	sld [smem:$0x3FD9]  }
0x89: {  	s3 =	sld [smem:$0x3FFE];
	_ =	sdelay $0x1  }
0x8a: {  	s1 =	srdreg.scid  }
0x8b: {  	s0 =	sand.u32 $0x1, s1  }
0x8c: {  	s16 =	sshll.u32 s0, $0xA;
	s2 =	sadd.s32 s3, s2  }
0x8d: {  	s2 =	sadd.s32 s2, s16  }
0x8e: {  	[smem:$0x3FBB] =	sst s2  }
0x8f: {  	_ = 	snop  }
0x90: {  	(tm) =	ssettm $0x1  }
0x91: {  	s17 =	sld [smem:$0x3FFB];
	_ =	sdelay $0x3  }
0x92: {  	_ =	strace s17  }
0x93: {  	s2 =	sld [smem:$0x3FFC];
	_ =	sdelay $0x3  }
0x94: {  	_ =	strace s2  }
0x95: {  	s2 =	sld [smem:$0x3FFD];
	_ =	sdelay $0x3  }
0x96: {  	_ =	strace s2  }
0x97: {  	_ =	strace $0x8FFFFFFF  }
0x98: {  	s18 =	sld [smem:$0x3FDB];
	_ =	sdelay $0x1  }
0x99: {  	s19 =	simm.s32 $_scs_section_size  }
0x9a: {  	s4 =	simm.s32 $_size__tile_overlayer_lowered;
	s5 =	simm.s32 $_tile_overlayer_lowered  }
0x9b: {  	s22 =	simm.s32 $0x1BFF;
	s21 =	sshll.u32 s5, $0x1;
	s2 =	sadd.s32 s19, s18  }
0x9c: {  	s6 =	simm.s32 $0x0;
	s20 =	sshll.u32 s4, $0x1;
	s4 =	sadd.s32 s21, s2  }
0x9d: {  	[timem:s6], [sflag:s22] =	dma.local [hbm:s4], s20  }
0x9e: {  	_ =	swait.ge [sflag:s22], s20  }
0x9f: {  	s3 =	ssub.s32 $0x0, s20;
	[sflag:s22] =	ssyncset.done $0x0  }
0xa0: {  	[sflag:s22] =	ssyncadd.s32 s3;
	_ =	sdelay $0x1  }
0xa1: {  	s23 =	simm.s32 $0x1B8B  }
0xa2: {  	_ =	swait.ge [sflag:s23], $0x1  }
0xa3: {  	[sflag:s23] =	ssyncset.done $0x0  }
0xa4: {  	s25 =	simm.s32 $0x1B8E;
	s24 =	sld [smem:$0x3FFE];
	[sflag:s23] =	ssyncadd.s32 $0xFFFFFFFF  }
0xa5: {  	s26 =	simm.s32 $execute0_lowered;
	[smem:$0x3FD2] =	sst s25  }
0xa6: {  	s4 =	sshll.u32 s26, $0x1;
	_ =	strace $0x80000049;
	[dreg:$0x1] =	wrdreg $0xFFFFFFFF  }
0xa7: {  	s28 =	simm.s32 $_size_execute0_lowered;
	s2 =	sadd.s32 s2, s4;
	[dreg:$0x0] =	wrdreg $0x0  }
0xa8: {  	s4 =	sshll.u32 s28, $0x1;
	[dreg:$0x2] =	wrdreg s2  }
0xa9: {  	[dreg:$0x3] =	wrdreg s4  }
0xaa: {  	[dreg:$0x4] =	wrdreg $0xC0  }
0xab: {  	_ =	task [dreg:s6], $0x5FFFF  }
0xac: {  	[dreg:$0x1] =	wrdreg $0xFFFFFFFF  }
0xad: {  	[dreg:$0x0] =	wrdreg $0x60  }
0xae: {  	[dreg:$0x2] =	wrdreg s24  }
0xaf: {  	[dreg:$0x3] =	wrdreg $0x90000  }
0xb0: {  	[dreg:$0x4] =	wrdreg $0x9  }
0xb1: {  	_ =	task.clear_ibuf [dreg:s6], $0x5FFFF;
	_ =	strace $0x90000049  }
0xb2: {  	s29 =	simm.s32 $0x9;
	_ =	strace $0x8000004B  }
0xb3: {  	_ =	swait.ge [sflag:s29], $0x1  }
0xb4: {  	[sflag:s29] =	ssyncadd.s32 $0xFFFFFFFF  }
0xb5: {  	_ =	strace $0x9000004B  }
0xb6: {  	_ =	sfence  }
0xb7: {  	s30 =	sld [smem:$0x0];
	_ =	sdelay $0x2  }
0xb8: {  	s31 =	sshll.u32 s1, $0xD;
	s1 =	sshrl.u32 s1, $0x2  }
0xb9: {  	s3 =	sand.u32 $0x4000, s31;
	s1 =	sadd.s32 s1, s30  }
0xba: {  	s0 =	sor.u32 s3, s0;
	s1 =	sshll.u32 s1, $0x11  }
0xbb: {  	s0 =	sor.u32 s1, s0  }
0xbc: {  	s0 =	sadd.s32 $0x8F2B, s0  }
0xbd: {  	[sflag:s0] =	ssyncadd.remote.s32 $0x1  }
0xbe: {  	_ =	sfence.sel $0xFFFF  }
0xbf: {  	[dreg:$0x0] =	wrdreg $0xFFFFFFFF;
	(pc) =	sbr.abs _section_cstart, $3  }
0xc0: {  	[dreg:$0x1] =	wrdreg $0xFFFFFFFF  }
0xc1: {  	_ =	task.clear_ibuf [dreg:s6], $0x2FFFF;
	_ =	strace $0x9FFFFFFF  }
0xc2: {  	(tm) =	ssettm $0x7FFFFFFF  }
0xc3: {  	_ =	shalt  }
tec
execute0_lowered:
.L_overlay_start_1:
0x0: {  	(tag) =	ssettag $0x1  }
0x1: {  	s0 =	srdreg.scid;
	s6 =	rddreg [dreg:$0x0]  }
0x2: {  	s2 =	rddreg [dreg:$0x1];
	s5 =	sand.u32 $0x1, s0;
	s0 =	stileid.u32  }
0x3: {  	s3 =	simm.s32 $0x0;
	s14 =	simm.s32 $0x80;
	s8 =	smul.u32 $0x2800, s0  }
0x4: {  	s15 =	simm.s32 $0x5000;
	s16 =	simm.s32 $0x0;
	s9 =	smul.u32 $0x28000, s5  }
0x5: {  	[smem:$0x7FF] =	sst s3;
	s1 =	sshll.u32 s5, $0x4;
	s29 =	smul.u32 $0x50000, s0  }
0x6: {  	s5 =	ssub.s32 $0x2, s5;
	s31 =	sshll.u32 s0, $0x6;
	s4 =	sor.u32 s0, s1  }
0x7: {  	s1 =	rddreg [dreg:$0x2];
	_ =	strace $0x8000004A;
	s30 =	sshrl.u32 s5, $0x1  }
0x8: {  	s7 =	smul.u32 $0x500, s4;
	s11 =	sadd.s32 s8, s6;
	s8 =	sadd.s32 s8, s9  }
0x9: {  	s4 =	sadd.s32 $0x17600, s6;
	s12 =	ssub.s32 s5, s30;
	s9 =	sadd.s32 s8, s6  }
0xa: {  	s5 =	sadd.s32 $0x3F600, s11;
	s10 =	sadd.s32 s7, s6;
	s7 =	sshrl.u32 s29, $0x2  }
0xb: {  	s6 =	sor.u32 $0x1C01, s31;
	s9 =	sadd.s32 $0x67600, s9;
	s13 =	sadd.s32 s7, s2  }
0xc: {  	s7 =	sadd.s32 $0xD600, s10;
	s8 =	sadd.s32 $0x3600, s10;
	s10 =	smax.u32 s12, $0x1  }
0xd: {  	s12 =	simm.s32 $0x1;
	s11 =	sshrl.u32 s13, $0x3;
	s13 =	simm.s32 $0x2800  }
.LBB2_1:
0xe: {  	[spmem:s11], [sflag:s6] =	dma.local [hbm:s5], $0x2800  }
0xf: {  	_ =	swait.ge [sflag:s12], $0x2800  }
0x10: {  	[sflag:s12] =	ssyncset.done $0x0  }
0x11: {  	[sflag:s12] =	ssyncadd.s32 $0xFFFFD800  }
0x12: {  	[tilespmem:s3], [sflag:$0x1] =	stream.linear.gather [hbm4b:s7+s3], $0x2800, $0x38;
	[tilespmem:$0x1D000] =	vst v63  }
0x13: {  	_ =	swait.ge [sflag:s12], $0x2800  }
0x14: {  	[sflag:s12] =	ssyncset.done $0x0  }
0x15: {  	[sflag:s12] =	ssyncadd.s32 $0xFFFFD800  }
0x16: {  	[tilespmem:s13], [sflag:$0x1] =	stream.linear.gather [hbm4b:s8+s3], $0x2800, $0x38;
	[tilespmem:$0x1D000] =	vst v63  }
0x17: {  	_ =	swait.ge [sflag:s12], $0x2800  }
0x18: {  	[sflag:s12] =	ssyncset.done $0x0  }
0x19: {  	[sflag:s12] =	ssyncadd.s32 $0xFFFFD800  }
0x1a: {  	s17 =	simm.s32 $0x0;
	[bflag:$0x0] =	sbarrier.arrive $0xFFFF  }
0x1b: {  	[tilespmem:s15], [sflag:$0x1] =	stream.indirect.gather [hbm4b:s4+s14], $0x80, s17, s14, $0xb8;
	[tilespmem:$0x1D000] =	vst v63  }
0x1c: {  	_ =	swait.ge [sflag:s12], $0x4000  }
0x1d: {  	[sflag:s12] =	ssyncset.done $0x0  }
0x1e: {  	s31 =	simm.s32 $0x2800;
	[sflag:s12] =	ssyncadd.s32 $0xFFFFC000  }
0x1f: {  	[spmem:s2] =	stream.indirect.scatter.add.f32 [tilespmem:s15], [sflag:$0x1], $0x80, s31, s14, $0xb8;
	[tilespmem:$0x1D000] =	vst v63  }
0x20: {  	_ =	swait.ge [sflag:s12], $0x4000  }
0x21: {  	s18 =	simm.s32 $0x400;
	s17 =	simm.s32 $0x200;
	[sflag:s12] =	ssyncset.done $0x0  }
.LBB2_2:
0x22: {  	s19 =	sshra.s32 s17, $0x2  }
0x23: {  	[sflag:s12] =	ssyncadd.s32 $0xFFFFC000;
	s17 =	smov.u32 s18;
	s20 =	sadd.s32 $0x200, s18  }
0x24: {  	[tilespmem:s15], [sflag:$0x1] =	stream.indirect.gather [hbm4b:s4+s14], $0x80, s19, s14, $0xb8;
	[tilespmem:$0x1D000] =	vst v63  }
0x25: {  	p0 =	sne.s32 s18, $0x9E00;
	_ =	swait.ge [sflag:s12], $0x4000  }
.Ltmp0:
0x26: {  	[sflag:s12] =	ssyncset.done $0x0;
	(pc) =	sbr.rel @p0 .LBB2_2-.Ltmp0, $4  }
0x27: {  	s18 =	sadd.s32 $0x2800, s19;
	[sflag:s12] =	ssyncadd.s32 $0xFFFFC000  }
0x28: {  	[spmem:s2] =	stream.indirect.scatter.add.f32 [tilespmem:s15], [sflag:$0x1], $0x80, s18, s14, $0xb8;
	[tilespmem:$0x1D000] =	vst v63  }
0x29: {  	_ =	swait.ge [sflag:s12], $0x4000  }
0x2a: {  	s18 =	smov.u32 s20;
	[sflag:s12] =	ssyncset.done $0x0  }
0x2b: {  	s17 =	sshra.s32 s17, $0x2;
	[sflag:s12] =	ssyncadd.s32 $0xFFFFC000  }
0x2c: {  	[tilespmem:s15], [sflag:$0x1] =	stream.indirect.gather [hbm4b:s4+s14], $0x80, s17, s14, $0xb8;
	[tilespmem:$0x1D000] =	vst v63  }
0x2d: {  	_ =	swait.ge [sflag:s12], $0x4000  }
0x2e: {  	[sflag:s12] =	ssyncset.done $0x0  }
0x2f: {  	s17 =	sadd.s32 $0x2800, s17;
	[sflag:s12] =	ssyncadd.s32 $0xFFFFC000  }
0x30: {  	[spmem:s2] =	stream.indirect.scatter.add.f32 [tilespmem:s15], [sflag:$0x1], $0x80, s17, s14, $0xb8;
	[tilespmem:$0x1D000] =	vst v63  }
0x31: {  	_ =	swait.ge [sflag:s12], $0x4000  }
0x32: {  	s16 =	sadd.s32 $0x1, s16;
	[sflag:s12] =	ssyncset.done $0x0  }
0x33: {  	p0 =	sne.s32 s16, s10;
	[sflag:s12] =	ssyncadd.s32 $0xFFFFC000  }
.Ltmp1:
0x34: {  	[bflag:$0x0] =	sbarrier.arrive $0xFFFF;
	(pc) =	sbr.rel @p0 .LBB2_1-.Ltmp1, $4  }
0x35: {  	[hbm:s9], [sflag:s6] =	dma.local [spmem:s11], $0x2800  }
0x36: {  	_ =	swait.ge [sflag:s12], $0x2800  }
0x37: {  	[sflag:s12] =	ssyncset.done $0x0  }
0x38: {  	[sflag:s12] =	ssyncadd.s32 $0xFFFFD800  }
0x39: {  	_ =	sfence.sel $0x180000  }
0x3a: {  	[bflag:$0x0] =	sbarrier.arrive $0xFFFF  }
0x3b: {  	p0 =	sne.s32 s0, $0x0;
	_ =	strace $0x9000004A  }
0x3c: {  	s0 =	sadd.s32 @!p0 $0x100000, s1;
	[bflag:$0x2] =	sbarrier.arrive $0xFFFF  }
0x3d: {  	[sflag:s0] =	ssyncadd.tile.s32 @!p0 $0x1;
	_ =	shalt  }
.Lfunc_end2:
_tile_overlayer_lowered:
.L_overlay_start_2:
0x3e: {  	(tag) =	ssettag $0x2  }
0x3f: {  	s0 =	rddreg [dreg:$0x0];
	s2 =	stileid.u32  }
0x40: {  	s1 =	rddreg [dreg:$0x1];
	p0 =	sne.s32 s2, $0x0  }
0x41: {  	s3 =	rddreg [dreg:$0x2];
	[bflag:$0x3] =	sbarrier.arrive $0xFFFF;
	s2 =	simm.s32 @!p0 $0x1C01  }
0x42: {  	[timem:s3], [sflag:s2] =	dma.local @!p0 [hbm:s0], s1  }
0x43: {  	s0 =	simm.s32 @!p0 $0x1  }
0x44: {  	_ =	swait.ge @!p0 [sflag:s0], s1  }
0x45: {  	s1 =	ssub.s32 @!p0 $0x0, s1;
	[sflag:s0] =	ssyncset.done @!p0 $0x0  }
0x46: {  	[sflag:s0] =	ssyncadd.s32 @!p0 s1  }
0x47: {  	[bflag:$0x3] =	sbarrier.arrive $0xFFFF  }
0x48: {  	_ =	shalt  }

// kernel: kernel.15.cloned.1.call-start
scs
__scs_entry_jumppad:
0x0: {  	(pc) =	sbr.rel $0x88, $3  }
0x1: {  	(tag) =	ssettag $0x0;
	lr =	simm.s32 $0x1  }
0x2: {  	[smem:$0x3F94] =	sst lr;
	_ =	strace $0xD0000000  }
0x3: {  	_ = 	snop  }
0x4: {  	_ = 	snop  }
0x5: {  	_ = 	snop  }
0x6: {  	_ = 	snop  }
0x7: {  	_ = 	snop  }
__scs_overlays_trampoline_lowered:
0x8: {  	[smem:$0x3FA3] =	sst s0  }
0x9: {  	[smem:$0x3FA4] =	sst s1  }
0xa: {  	[smem:$0x3FA5] =	sst s2  }
0xb: {  	[smem:$0x3FA6] =	sst s3  }
0xc: {  	[smem:$0x3FA7] =	sst s4  }
0xd: {  	[smem:$0x3FA8] =	sst s5  }
0xe: {  	[smem:$0x3FA9] =	sst s6  }
0xf: {  	[smem:$0x3FAA] =	sst s7  }
0x10: {  	[smem:$0x3FAB] =	sst s8  }
0x11: {  	[smem:$0x3FAC] =	sst s9;
	s0 =	simm.s32 @!p0 $0x0  }
0x12: {  	s1 =	sld [smem:$0x3F92];
	s0 =	simm.s32 @p0 $0x1  }
0x13: {  	[smem:$0x3FAD] =	sst s0;
	s0 =	simm.s32 @!p1 $0x0  }
0x14: {  	s2 =	sld [smem:$0x3F91];
	s0 =	simm.s32 @p1 $0x1  }
0x15: {  	[smem:$0x3FAE] =	sst s0;
	s0 =	simm.s32 @!p2 $0x0  }
0x16: {  	s3 =	sld [smem:$0x3FDB];
	s0 =	simm.s32 @p2 $0x1  }
0x17: {  	s4 =	simm.s32 $0x1BF5;
	[smem:$0x3FB0] =	sst s0  }
0x18: {  	s0 =	sld [smem:$0x3F93];
	_ =	swait.ge [sflag:s4], $0x0  }
0x19: {  	s7 =	sld [smem:$0x3F94]  }
0x1a: {  	s8 =	sadd.s32 $0xFFFFE003, lr  }
0x1b: {  	s9 =	sadd.s32 $0xFFFFFEF7, lr;
	s5 =	simm.s32 $0xFFFFFFFF;
	p2 =	slt.u32 s8, $0xFFFFF086  }
0x1c: {  	p1 =	slt.u32 s9, $0xF7A;
	s5 =	simm.s32 @!p2 $0x0  }
0x1d: {  	s5 =	simm.s32 @p1 $0x1;
	p0 =	seq.s32 s7, s2  }
0x1e: {  	s7 =	smul.u32 @!p0 $0xF7A, s2;
	p2 =	seq.s32 @!p0 s5, $0x0  }
0x1f: {  	s9 =	smul.u32 $0xF7A, s1;
	s8 =	simm.s32 @!p0 $0x1BF5;
	p2 =	por !p2, p0  }
0x20: {  	[sflag:s8] =	ssyncset.s32 @!p0 $0xFFFFF086;
	s6 =	sadd.s32 @!p0 s3, s7;
	s7 =	simm.s32 @!p0 $0x108  }
0x21: {  	s3 =	sadd.s32 s3, s9;
	s6 =	sadd.s32 @!p0 $0x88, s6;
	s7 =	simm.s32 @p2 $0x1082  }
0x22: {  	[simem:s7], [sflag:s8] =	dma.local @!p0 [hbm:s6], $0xF7A  }
0x23: {  	s9 =	sor.u32 $0xD0000000, s2;
	s6 =	simm.s32 $0x108;
	_ =	swait.ge @!p0 [sflag:s8], $0x0  }
0x24: {  	s3 =	sadd.s32 $0x88, s3;
	s6 =	simm.s32 @!p1 $0x1082;
	[sflag:s4] =	ssyncset.s32 $0xFFFFF086  }
0x25: {  	[simem:s6], [sflag:s4] =	dma.local [hbm:s3], $0xF7A  }
0x26: {  	[smem:$0x3F94] =	sst s1;
	(tag) =	ssettag s2;
	_ =	strace s9  }
0x27: {  	s1 =	sld [smem:$0x3FA4]  }
0x28: {  	s2 =	sld [smem:$0x3FA5]  }
0x29: {  	s4 =	sld [smem:$0x3FA7]  }
0x2a: {  	p0 =	seq.s32 s5, $0x0;
	s5 =	sld [smem:$0x3FA8]  }
0x2b: {  	s6 =	sld [smem:$0x3FA9]  }
0x2c: {  	s7 =	sld [smem:$0x3FAA]  }
0x2d: {  	s3 =	simm.s32 $0x108;
	s8 =	sld [smem:$0x3FAB]  }
0x2e: {  	s3 =	simm.s32 @!p0 $0x1082;
	s9 =	sld [smem:$0x3FAC]  }
0x2f: {  	lr =	sadd.s32 s0, s3;
	s0 =	sld [smem:$0x3FA3]  }
0x30: {  	s3 =	sld [smem:$0x3FA6]  }
0x31: {  	[smem:$0x3FAF] =	sst s10  }
0x32: {  	s10 =	sld [smem:$0x3FAD];
	_ =	sdelay $0x3  }
0x33: {  	p0 =	seq.s32 s10, $0x1;
	s10 =	sld [smem:$0x3FAF];
	_ =	sdelay $0x3  }
0x34: {  	[smem:$0x3FAF] =	sst s10  }
0x35: {  	s10 =	sld [smem:$0x3FAE];
	_ =	sdelay $0x3  }
0x36: {  	p1 =	seq.s32 s10, $0x1;
	s10 =	sld [smem:$0x3FAF];
	_ =	sdelay $0x3  }
0x37: {  	[smem:$0x3FAF] =	sst s10  }
0x38: {  	s10 =	sld [smem:$0x3FB0]  }
0x39: {  	_ = 	snop;
	(pc) =	sbr.ind lr, $3  }
0x3a: {  	_ = 	snop  }
0x3b: {  	_ = 	snop  }
0x3c: {  	p2 =	seq.s32 s10, $0x1;
	s10 =	sld [smem:$0x3FAF]  }
0x3d: {  	_ =	shalt  }
0x3e: {  	_ =	shalt  }
0x3f: {  	_ =	shalt  }
0x40: {  	_ =	shalt  }
0x41: {  	_ =	shalt  }
0x42: {  	_ =	shalt  }
0x43: {  	_ =	shalt  }
0x44: {  	_ =	shalt  }
0x45: {  	_ =	shalt  }
0x46: {  	_ =	shalt  }
0x47: {  	_ =	shalt  }
0x48: {  	_ =	shalt  }
0x49: {  	_ =	shalt  }
0x4a: {  	_ =	shalt  }
0x4b: {  	_ =	shalt  }
0x4c: {  	_ =	shalt  }
0x4d: {  	_ =	shalt  }
0x4e: {  	_ =	shalt  }
0x4f: {  	_ =	shalt  }
0x50: {  	_ =	shalt  }
0x51: {  	_ =	shalt  }
0x52: {  	_ =	shalt  }
0x53: {  	_ =	shalt  }
0x54: {  	_ =	shalt  }
0x55: {  	_ =	shalt  }
0x56: {  	_ =	shalt  }
0x57: {  	_ =	shalt  }
0x58: {  	_ =	shalt  }
0x59: {  	_ =	shalt  }
0x5a: {  	_ =	shalt  }
0x5b: {  	_ =	shalt  }
0x5c: {  	_ =	shalt  }
0x5d: {  	_ =	shalt  }
0x5e: {  	_ =	shalt  }
0x5f: {  	_ =	shalt  }
0x60: {  	_ =	shalt  }
0x61: {  	_ =	shalt  }
0x62: {  	_ =	shalt  }
0x63: {  	_ =	shalt  }
0x64: {  	_ =	shalt  }
0x65: {  	_ =	shalt  }
0x66: {  	_ =	shalt  }
0x67: {  	_ =	shalt  }
0x68: {  	_ =	shalt  }
0x69: {  	_ =	shalt  }
0x6a: {  	_ =	shalt  }
0x6b: {  	_ =	shalt  }
0x6c: {  	_ =	shalt  }
0x6d: {  	_ =	shalt  }
0x6e: {  	_ =	shalt  }
0x6f: {  	_ =	shalt  }
0x70: {  	_ =	shalt  }
0x71: {  	_ =	shalt  }
0x72: {  	_ =	shalt  }
0x73: {  	_ =	shalt  }
0x74: {  	_ =	shalt  }
0x75: {  	_ =	shalt  }
0x76: {  	_ =	shalt  }
0x77: {  	_ =	shalt  }
0x78: {  	_ =	shalt  }
0x79: {  	_ =	shalt  }
0x7a: {  	_ =	shalt  }
0x7b: {  	_ =	shalt  }
0x7c: {  	_ =	shalt  }
0x7d: {  	_ =	shalt  }
0x7e: {  	_ =	shalt  }
0x7f: {  	_ =	shalt  }
0x80: {  	_ =	shalt  }
0x81: {  	_ =	shalt  }
0x82: {  	_ =	shalt  }
0x83: {  	_ =	shalt  }
0x84: {  	_ =	shalt  }
0x85: {  	_ =	shalt  }
0x86: {  	_ =	shalt  }
0x87: {  	_ =	shalt  }
.Lfunc_end0:
.L_simem_size_0:
called_computation.2_lowered:
.L_overlay_start_0:
0x88: {  	s2 =	sld [smem:$0x3FD9]  }
0x89: {  	s3 =	sld [smem:$0x3FFE];
	_ =	sdelay $0x1  }
0x8a: {  	s1 =	srdreg.scid  }
0x8b: {  	s0 =	sand.u32 $0x1, s1  }
0x8c: {  	s16 =	sshll.u32 s0, $0xA;
	s2 =	sadd.s32 s3, s2  }
0x8d: {  	s2 =	sadd.s32 s2, s16  }
0x8e: {  	[smem:$0x3FBB] =	sst s2  }
0x8f: {  	_ = 	snop  }
0x90: {  	(tm) =	ssettm $0x1  }
0x91: {  	s17 =	sld [smem:$0x3FFB];
	_ =	sdelay $0x3  }
0x92: {  	_ =	strace s17  }
0x93: {  	s2 =	sld [smem:$0x3FFC];
	_ =	sdelay $0x3  }
0x94: {  	_ =	strace s2  }
0x95: {  	s2 =	sld [smem:$0x3FFD];
	_ =	sdelay $0x3  }
0x96: {  	_ =	strace s2  }
0x97: {  	_ =	strace $0x8FFFFFFF  }
0x98: {  	s18 =	sld [smem:$0x3FDB];
	_ =	sdelay $0x1  }
0x99: {  	s19 =	simm.s32 $_scs_section_size  }
0x9a: {  	s4 =	simm.s32 $_size__tile_overlayer_lowered;
	s5 =	simm.s32 $_tile_overlayer_lowered  }
0x9b: {  	s22 =	simm.s32 $0x1BFF;
	s21 =	sshll.u32 s5, $0x1;
	s2 =	sadd.s32 s19, s18  }
0x9c: {  	s6 =	simm.s32 $0x0;
	s20 =	sshll.u32 s4, $0x1;
	s4 =	sadd.s32 s21, s2  }
0x9d: {  	[timem:s6], [sflag:s22] =	dma.local [hbm:s4], s20  }
0x9e: {  	_ =	swait.ge [sflag:s22], s20  }
0x9f: {  	s3 =	ssub.s32 $0x0, s20;
	[sflag:s22] =	ssyncset.done $0x0  }
0xa0: {  	[sflag:s22] =	ssyncadd.s32 s3;
	_ =	sdelay $0x1  }
0xa1: {  	s23 =	simm.s32 $0x1B8B  }
0xa2: {  	_ =	swait.ge [sflag:s23], $0x1  }
0xa3: {  	[sflag:s23] =	ssyncset.done $0x0  }
0xa4: {  	s25 =	simm.s32 $0x1B8E;
	s24 =	sld [smem:$0x3FFE];
	[sflag:s23] =	ssyncadd.s32 $0xFFFFFFFF  }
0xa5: {  	s26 =	simm.s32 $execute0_lowered;
	[smem:$0x3FD2] =	sst s25  }
0xa6: {  	s4 =	sshll.u32 s26, $0x1;
	_ =	strace $0x8000004C;
	[dreg:$0x1] =	wrdreg $0xFFFFFFFF  }
0xa7: {  	s28 =	simm.s32 $_size_execute0_lowered;
	s2 =	sadd.s32 s2, s4;
	[dreg:$0x0] =	wrdreg $0x0  }
0xa8: {  	s4 =	sshll.u32 s28, $0x1;
	[dreg:$0x2] =	wrdreg s2  }
0xa9: {  	[dreg:$0x3] =	wrdreg s4  }
0xaa: {  	[dreg:$0x4] =	wrdreg $0xC0  }
0xab: {  	_ =	task [dreg:s6], $0x5FFFF  }
0xac: {  	[dreg:$0x1] =	wrdreg $0xFFFFFFFF  }
0xad: {  	[dreg:$0x0] =	wrdreg $0x60  }
0xae: {  	[dreg:$0x2] =	wrdreg s24  }
0xaf: {  	[dreg:$0x3] =	wrdreg $0x90000  }
0xb0: {  	[dreg:$0x4] =	wrdreg $0x9  }
0xb1: {  	_ =	task.clear_ibuf [dreg:s6], $0x5FFFF;
	_ =	strace $0x9000004C  }
0xb2: {  	s29 =	simm.s32 $0x9;
	_ =	strace $0x8000004E  }
0xb3: {  	_ =	swait.ge [sflag:s29], $0x1  }
0xb4: {  	[sflag:s29] =	ssyncadd.s32 $0xFFFFFFFF  }
0xb5: {  	_ =	strace $0x9000004E  }
0xb6: {  	_ =	sfence  }
0xb7: {  	s30 =	sld [smem:$0x0];
	_ =	sdelay $0x2  }
0xb8: {  	s31 =	sshll.u32 s1, $0xD;
	s1 =	sshrl.u32 s1, $0x2  }
0xb9: {  	s3 =	sand.u32 $0x4000, s31;
	s1 =	sadd.s32 s1, s30  }
0xba: {  	s0 =	sor.u32 s3, s0;
	s1 =	sshll.u32 s1, $0x11  }
0xbb: {  	s0 =	sor.u32 s1, s0  }
0xbc: {  	s0 =	sadd.s32 $0x8F2B, s0  }
0xbd: {  	[sflag:s0] =	ssyncadd.remote.s32 $0x1  }
0xbe: {  	_ =	sfence.sel $0xFFFF  }
0xbf: {  	[dreg:$0x0] =	wrdreg $0xFFFFFFFF;
	(pc) =	sbr.abs _section_cstart, $3  }
0xc0: {  	[dreg:$0x1] =	wrdreg $0xFFFFFFFF  }
0xc1: {  	_ =	task.clear_ibuf [dreg:s6], $0x2FFFF;
	_ =	strace $0x9FFFFFFF  }
0xc2: {  	(tm) =	ssettm $0x7FFFFFFF  }
0xc3: {  	_ =	shalt  }
tec
execute0_lowered:
.L_overlay_start_1:
0x0: {  	(tag) =	ssettag $0x1  }
0x1: {  	s0 =	srdreg.scid;
	s6 =	rddreg [dreg:$0x0]  }
0x2: {  	s2 =	rddreg [dreg:$0x1];
	s5 =	sand.u32 $0x1, s0;
	s0 =	stileid.u32  }
0x3: {  	s3 =	simm.s32 $0x0;
	s14 =	simm.s32 $0x80;
	s8 =	smul.u32 $0x2800, s0  }
0x4: {  	s15 =	simm.s32 $0x5000;
	s16 =	simm.s32 $0x0;
	s9 =	smul.u32 $0x28000, s5  }
0x5: {  	[smem:$0x7FF] =	sst s3;
	s1 =	sshll.u32 s5, $0x4;
	s29 =	smul.u32 $0x50000, s0  }
0x6: {  	s5 =	ssub.s32 $0x2, s5;
	s31 =	sshll.u32 s0, $0x6;
	s4 =	sor.u32 s0, s1  }
0x7: {  	s1 =	rddreg [dreg:$0x2];
	_ =	strace $0x8000004D;
	s30 =	sshrl.u32 s5, $0x1  }
0x8: {  	s7 =	smul.u32 $0x500, s4;
	s11 =	sadd.s32 s8, s6;
	s8 =	sadd.s32 s8, s9  }
0x9: {  	s4 =	sadd.s32 $0x17600, s6;
	s12 =	ssub.s32 s5, s30;
	s9 =	sadd.s32 s8, s6  }
0xa: {  	s5 =	sadd.s32 $0x3F600, s11;
	s10 =	sadd.s32 s7, s6;
	s7 =	sshrl.u32 s29, $0x2  }
0xb: {  	s6 =	sor.u32 $0x1C01, s31;
	s9 =	sadd.s32 $0x67600, s9;
	s13 =	sadd.s32 s7, s2  }
0xc: {  	s7 =	sadd.s32 $0xD600, s10;
	s8 =	sadd.s32 $0x3600, s10;
	s10 =	smax.u32 s12, $0x1  }
0xd: {  	s12 =	simm.s32 $0x1;
	s11 =	sshrl.u32 s13, $0x3;
	s13 =	simm.s32 $0x2800  }
.LBB2_1:
0xe: {  	[spmem:s11], [sflag:s6] =	dma.local [hbm:s5], $0x2800  }
0xf: {  	_ =	swait.ge [sflag:s12], $0x2800  }
0x10: {  	[sflag:s12] =	ssyncset.done $0x0  }
0x11: {  	[sflag:s12] =	ssyncadd.s32 $0xFFFFD800  }
0x12: {  	[tilespmem:s3], [sflag:$0x1] =	stream.linear.gather [hbm4b:s7+s3], $0x2800, $0x38;
	[tilespmem:$0x1D000] =	vst v63  }
0x13: {  	_ =	swait.ge [sflag:s12], $0x2800  }
0x14: {  	[sflag:s12] =	ssyncset.done $0x0  }
0x15: {  	[sflag:s12] =	ssyncadd.s32 $0xFFFFD800  }
0x16: {  	[tilespmem:s13], [sflag:$0x1] =	stream.linear.gather [hbm4b:s8+s3], $0x2800, $0x38;
	[tilespmem:$0x1D000] =	vst v63  }
0x17: {  	_ =	swait.ge [sflag:s12], $0x2800  }
0x18: {  	[sflag:s12] =	ssyncset.done $0x0  }
0x19: {  	[sflag:s12] =	ssyncadd.s32 $0xFFFFD800  }
0x1a: {  	s17 =	simm.s32 $0x0;
	[bflag:$0x0] =	sbarrier.arrive $0xFFFF  }
0x1b: {  	[tilespmem:s15], [sflag:$0x1] =	stream.indirect.gather [hbm4b:s4+s14], $0x80, s17, s14, $0xb8;
	[tilespmem:$0x1D000] =	vst v63  }
0x1c: {  	_ =	swait.ge [sflag:s12], $0x4000  }
0x1d: {  	[sflag:s12] =	ssyncset.done $0x0  }
0x1e: {  	s31 =	simm.s32 $0x2800;
	[sflag:s12] =	ssyncadd.s32 $0xFFFFC000  }
0x1f: {  	[spmem:s2] =	stream.indirect.scatter.add.f32 [tilespmem:s15], [sflag:$0x1], $0x80, s31, s14, $0xb8;
	[tilespmem:$0x1D000] =	vst v63  }
0x20: {  	_ =	swait.ge [sflag:s12], $0x4000  }
0x21: {  	s18 =	simm.s32 $0x400;
	s17 =	simm.s32 $0x200;
	[sflag:s12] =	ssyncset.done $0x0  }
.LBB2_2:
0x22: {  	s19 =	sshra.s32 s17, $0x2  }
0x23: {  	[sflag:s12] =	ssyncadd.s32 $0xFFFFC000;
	s17 =	smov.u32 s18;
	s20 =	sadd.s32 $0x200, s18  }
0x24: {  	[tilespmem:s15], [sflag:$0x1] =	stream.indirect.gather [hbm4b:s4+s14], $0x80, s19, s14, $0xb8;
	[tilespmem:$0x1D000] =	vst v63  }
0x25: {  	p0 =	sne.s32 s18, $0x9E00;
	_ =	swait.ge [sflag:s12], $0x4000  }
.Ltmp0:
0x26: {  	[sflag:s12] =	ssyncset.done $0x0;
	(pc) =	sbr.rel @p0 .LBB2_2-.Ltmp0, $4  }
0x27: {  	s18 =	sadd.s32 $0x2800, s19;
	[sflag:s12] =	ssyncadd.s32 $0xFFFFC000  }
0x28: {  	[spmem:s2] =	stream.indirect.scatter.add.f32 [tilespmem:s15], [sflag:$0x1], $0x80, s18, s14, $0xb8;
	[tilespmem:$0x1D000] =	vst v63  }
0x29: {  	_ =	swait.ge [sflag:s12], $0x4000  }
0x2a: {  	s18 =	smov.u32 s20;
	[sflag:s12] =	ssyncset.done $0x0  }
0x2b: {  	s17 =	sshra.s32 s17, $0x2;
	[sflag:s12] =	ssyncadd.s32 $0xFFFFC000  }
0x2c: {  	[tilespmem:s15], [sflag:$0x1] =	stream.indirect.gather [hbm4b:s4+s14], $0x80, s17, s14, $0xb8;
	[tilespmem:$0x1D000] =	vst v63  }
0x2d: {  	_ =	swait.ge [sflag:s12], $0x4000  }
0x2e: {  	[sflag:s12] =	ssyncset.done $0x0  }
0x2f: {  	s17 =	sadd.s32 $0x2800, s17;
	[sflag:s12] =	ssyncadd.s32 $0xFFFFC000  }
0x30: {  	[spmem:s2] =	stream.indirect.scatter.add.f32 [tilespmem:s15], [sflag:$0x1], $0x80, s17, s14, $0xb8;
	[tilespmem:$0x1D000] =	vst v63  }
0x31: {  	_ =	swait.ge [sflag:s12], $0x4000  }
0x32: {  	s16 =	sadd.s32 $0x1, s16;
	[sflag:s12] =	ssyncset.done $0x0  }
0x33: {  	p0 =	sne.s32 s16, s10;
	[sflag:s12] =	ssyncadd.s32 $0xFFFFC000  }
.Ltmp1:
0x34: {  	[bflag:$0x0] =	sbarrier.arrive $0xFFFF;
	(pc) =	sbr.rel @p0 .LBB2_1-.Ltmp1, $4  }
0x35: {  	[hbm:s9], [sflag:s6] =	dma.local [spmem:s11], $0x2800  }
0x36: {  	_ =	swait.ge [sflag:s12], $0x2800  }
0x37: {  	[sflag:s12] =	ssyncset.done $0x0  }
0x38: {  	[sflag:s12] =	ssyncadd.s32 $0xFFFFD800  }
0x39: {  	_ =	sfence.sel $0x180000  }
0x3a: {  	[bflag:$0x0] =	sbarrier.arrive $0xFFFF  }
0x3b: {  	p0 =	sne.s32 s0, $0x0;
	_ =	strace $0x9000004D  }
0x3c: {  	s0 =	sadd.s32 @!p0 $0x100000, s1;
	[bflag:$0x2] =	sbarrier.arrive $0xFFFF  }
0x3d: {  	[sflag:s0] =	ssyncadd.tile.s32 @!p0 $0x1;
	_ =	shalt  }
.Lfunc_end2:
_tile_overlayer_lowered:
.L_overlay_start_2:
0x3e: {  	(tag) =	ssettag $0x2  }
0x3f: {  	s0 =	rddreg [dreg:$0x0];
	s2 =	stileid.u32  }
0x40: {  	s1 =	rddreg [dreg:$0x1];
	p0 =	sne.s32 s2, $0x0  }
0x41: {  	s3 =	rddreg [dreg:$0x2];
	[bflag:$0x3] =	sbarrier.arrive $0xFFFF;
	s2 =	simm.s32 @!p0 $0x1C01  }
0x42: {  	[timem:s3], [sflag:s2] =	dma.local @!p0 [hbm:s0], s1  }
0x43: {  	s0 =	simm.s32 @!p0 $0x1  }
0x44: {  	_ =	swait.ge @!p0 [sflag:s0], s1  }
0x45: {  	s1 =	ssub.s32 @!p0 $0x0, s1;
	[sflag:s0] =	ssyncset.done @!p0 $0x0  }
0x46: {  	[sflag:s0] =	ssyncadd.s32 @!p0 s1  }
0x47: {  	[bflag:$0x3] =	sbarrier.arrive $0xFFFF  }
0x48: {  	_ =	shalt  }

// kernel: kernel.9.cloned.1.call-start
scs
__scs_entry_jumppad:
0x0: {  	(pc) =	sbr.rel $0x88, $3  }
0x1: {  	(tag) =	ssettag $0x0;
	lr =	simm.s32 $0x1  }
0x2: {  	[smem:$0x3F94] =	sst lr;
	_ =	strace $0xD0000000  }
0x3: {  	_ = 	snop  }
0x4: {  	_ = 	snop  }
0x5: {  	_ = 	snop  }
0x6: {  	_ = 	snop  }
0x7: {  	_ = 	snop  }
__scs_overlays_trampoline_lowered:
0x8: {  	[smem:$0x3FA3] =	sst s0  }
0x9: {  	[smem:$0x3FA4] =	sst s1  }
0xa: {  	[smem:$0x3FA5] =	sst s2  }
0xb: {  	[smem:$0x3FA6] =	sst s3  }
0xc: {  	[smem:$0x3FA7] =	sst s4  }
0xd: {  	[smem:$0x3FA8] =	sst s5  }
0xe: {  	[smem:$0x3FA9] =	sst s6  }
0xf: {  	[smem:$0x3FAA] =	sst s7  }
0x10: {  	[smem:$0x3FAB] =	sst s8  }
0x11: {  	[smem:$0x3FAC] =	sst s9;
	s0 =	simm.s32 @!p0 $0x0  }
0x12: {  	s1 =	sld [smem:$0x3F92];
	s0 =	simm.s32 @p0 $0x1  }
0x13: {  	[smem:$0x3FAD] =	sst s0;
	s0 =	simm.s32 @!p1 $0x0  }
0x14: {  	s2 =	sld [smem:$0x3F91];
	s0 =	simm.s32 @p1 $0x1  }
0x15: {  	[smem:$0x3FAE] =	sst s0;
	s0 =	simm.s32 @!p2 $0x0  }
0x16: {  	s3 =	sld [smem:$0x3FDB];
	s0 =	simm.s32 @p2 $0x1  }
0x17: {  	s4 =	simm.s32 $0x1BF5;
	[smem:$0x3FB0] =	sst s0  }
0x18: {  	s0 =	sld [smem:$0x3F93];
	_ =	swait.ge [sflag:s4], $0x0  }
0x19: {  	s7 =	sld [smem:$0x3F94]  }
0x1a: {  	s8 =	sadd.s32 $0xFFFFE003, lr  }
0x1b: {  	s9 =	sadd.s32 $0xFFFFFEF7, lr;
	s5 =	simm.s32 $0xFFFFFFFF;
	p2 =	slt.u32 s8, $0xFFFFF086  }
0x1c: {  	p1 =	slt.u32 s9, $0xF7A;
	s5 =	simm.s32 @!p2 $0x0  }
0x1d: {  	s5 =	simm.s32 @p1 $0x1;
	p0 =	seq.s32 s7, s2  }
0x1e: {  	s7 =	smul.u32 @!p0 $0xF7A, s2;
	p2 =	seq.s32 @!p0 s5, $0x0  }
0x1f: {  	s9 =	smul.u32 $0xF7A, s1;
	s8 =	simm.s32 @!p0 $0x1BF5;
	p2 =	por !p2, p0  }
0x20: {  	[sflag:s8] =	ssyncset.s32 @!p0 $0xFFFFF086;
	s6 =	sadd.s32 @!p0 s3, s7;
	s7 =	simm.s32 @!p0 $0x108  }
0x21: {  	s3 =	sadd.s32 s3, s9;
	s6 =	sadd.s32 @!p0 $0x88, s6;
	s7 =	simm.s32 @p2 $0x1082  }
0x22: {  	[simem:s7], [sflag:s8] =	dma.local @!p0 [hbm:s6], $0xF7A  }
0x23: {  	s9 =	sor.u32 $0xD0000000, s2;
	s6 =	simm.s32 $0x108;
	_ =	swait.ge @!p0 [sflag:s8], $0x0  }
0x24: {  	s3 =	sadd.s32 $0x88, s3;
	s6 =	simm.s32 @!p1 $0x1082;
	[sflag:s4] =	ssyncset.s32 $0xFFFFF086  }
0x25: {  	[simem:s6], [sflag:s4] =	dma.local [hbm:s3], $0xF7A  }
0x26: {  	[smem:$0x3F94] =	sst s1;
	(tag) =	ssettag s2;
	_ =	strace s9  }
0x27: {  	s1 =	sld [smem:$0x3FA4]  }
0x28: {  	s2 =	sld [smem:$0x3FA5]  }
0x29: {  	s4 =	sld [smem:$0x3FA7]  }
0x2a: {  	p0 =	seq.s32 s5, $0x0;
	s5 =	sld [smem:$0x3FA8]  }
0x2b: {  	s6 =	sld [smem:$0x3FA9]  }
0x2c: {  	s7 =	sld [smem:$0x3FAA]  }
0x2d: {  	s3 =	simm.s32 $0x108;
	s8 =	sld [smem:$0x3FAB]  }
0x2e: {  	s3 =	simm.s32 @!p0 $0x1082;
	s9 =	sld [smem:$0x3FAC]  }
0x2f: {  	lr =	sadd.s32 s0, s3;
	s0 =	sld [smem:$0x3FA3]  }
0x30: {  	s3 =	sld [smem:$0x3FA6]  }
0x31: {  	[smem:$0x3FAF] =	sst s10  }
0x32: {  	s10 =	sld [smem:$0x3FAD];
	_ =	sdelay $0x3  }
0x33: {  	p0 =	seq.s32 s10, $0x1;
	s10 =	sld [smem:$0x3FAF];
	_ =	sdelay $0x3  }
0x34: {  	[smem:$0x3FAF] =	sst s10  }
0x35: {  	s10 =	sld [smem:$0x3FAE];
	_ =	sdelay $0x3  }
0x36: {  	p1 =	seq.s32 s10, $0x1;
	s10 =	sld [smem:$0x3FAF];
	_ =	sdelay $0x3  }
0x37: {  	[smem:$0x3FAF] =	sst s10  }
0x38: {  	s10 =	sld [smem:$0x3FB0]  }
0x39: {  	_ = 	snop;
	(pc) =	sbr.ind lr, $3  }
0x3a: {  	_ = 	snop  }
0x3b: {  	_ = 	snop  }
0x3c: {  	p2 =	seq.s32 s10, $0x1;
	s10 =	sld [smem:$0x3FAF]  }
0x3d: {  	_ =	shalt  }
0x3e: {  	_ =	shalt  }
0x3f: {  	_ =	shalt  }
0x40: {  	_ =	shalt  }
0x41: {  	_ =	shalt  }
0x42: {  	_ =	shalt  }
0x43: {  	_ =	shalt  }
0x44: {  	_ =	shalt  }
0x45: {  	_ =	shalt  }
0x46: {  	_ =	shalt  }
0x47: {  	_ =	shalt  }
0x48: {  	_ =	shalt  }
0x49: {  	_ =	shalt  }
0x4a: {  	_ =	shalt  }
0x4b: {  	_ =	shalt  }
0x4c: {  	_ =	shalt  }
0x4d: {  	_ =	shalt  }
0x4e: {  	_ =	shalt  }
0x4f: {  	_ =	shalt  }
0x50: {  	_ =	shalt  }
0x51: {  	_ =	shalt  }
0x52: {  	_ =	shalt  }
0x53: {  	_ =	shalt  }
0x54: {  	_ =	shalt  }
0x55: {  	_ =	shalt  }
0x56: {  	_ =	shalt  }
0x57: {  	_ =	shalt  }
0x58: {  	_ =	shalt  }
0x59: {  	_ =	shalt  }
0x5a: {  	_ =	shalt  }
0x5b: {  	_ =	shalt  }
0x5c: {  	_ =	shalt  }
0x5d: {  	_ =	shalt  }
0x5e: {  	_ =	shalt  }
0x5f: {  	_ =	shalt  }
0x60: {  	_ =	shalt  }
0x61: {  	_ =	shalt  }
0x62: {  	_ =	shalt  }
0x63: {  	_ =	shalt  }
0x64: {  	_ =	shalt  }
0x65: {  	_ =	shalt  }
0x66: {  	_ =	shalt  }
0x67: {  	_ =	shalt  }
0x68: {  	_ =	shalt  }
0x69: {  	_ =	shalt  }
0x6a: {  	_ =	shalt  }
0x6b: {  	_ =	shalt  }
0x6c: {  	_ =	shalt  }
0x6d: {  	_ =	shalt  }
0x6e: {  	_ =	shalt  }
0x6f: {  	_ =	shalt  }
0x70: {  	_ =	shalt  }
0x71: {  	_ =	shalt  }
0x72: {  	_ =	shalt  }
0x73: {  	_ =	shalt  }
0x74: {  	_ =	shalt  }
0x75: {  	_ =	shalt  }
0x76: {  	_ =	shalt  }
0x77: {  	_ =	shalt  }
0x78: {  	_ =	shalt  }
0x79: {  	_ =	shalt  }
0x7a: {  	_ =	shalt  }
0x7b: {  	_ =	shalt  }
0x7c: {  	_ =	shalt  }
0x7d: {  	_ =	shalt  }
0x7e: {  	_ =	shalt  }
0x7f: {  	_ =	shalt  }
0x80: {  	_ =	shalt  }
0x81: {  	_ =	shalt  }
0x82: {  	_ =	shalt  }
0x83: {  	_ =	shalt  }
0x84: {  	_ =	shalt  }
0x85: {  	_ =	shalt  }
0x86: {  	_ =	shalt  }
0x87: {  	_ =	shalt  }
.Lfunc_end0:
.L_simem_size_0:
called_computation_lowered:
.L_overlay_start_0:
0x88: {  	s2 =	sld [smem:$0x3FD9]  }
0x89: {  	s3 =	sld [smem:$0x3FFE];
	_ =	sdelay $0x1  }
0x8a: {  	s1 =	srdreg.scid  }
0x8b: {  	s0 =	sand.u32 $0x1, s1  }
0x8c: {  	s16 =	sshll.u32 s0, $0xA;
	s2 =	sadd.s32 s3, s2  }
0x8d: {  	s2 =	sadd.s32 s2, s16  }
0x8e: {  	[smem:$0x3FBB] =	sst s2  }
0x8f: {  	_ = 	snop  }
0x90: {  	(tm) =	ssettm $0x1  }
0x91: {  	s17 =	sld [smem:$0x3FFB];
	_ =	sdelay $0x3  }
0x92: {  	_ =	strace s17  }
0x93: {  	s2 =	sld [smem:$0x3FFC];
	_ =	sdelay $0x3  }
0x94: {  	_ =	strace s2  }
0x95: {  	s2 =	sld [smem:$0x3FFD];
	_ =	sdelay $0x3  }
0x96: {  	_ =	strace s2  }
0x97: {  	_ =	strace $0x8FFFFFFF  }
0x98: {  	s18 =	sld [smem:$0x3FDB];
	_ =	sdelay $0x1  }
0x99: {  	s19 =	simm.s32 $_scs_section_size  }
0x9a: {  	s4 =	simm.s32 $_size__tile_overlayer_lowered;
	s5 =	simm.s32 $_tile_overlayer_lowered  }
0x9b: {  	s22 =	simm.s32 $0x1BFF;
	s21 =	sshll.u32 s5, $0x1;
	s2 =	sadd.s32 s19, s18  }
0x9c: {  	s6 =	simm.s32 $0x0;
	s20 =	sshll.u32 s4, $0x1;
	s4 =	sadd.s32 s21, s2  }
0x9d: {  	[timem:s6], [sflag:s22] =	dma.local [hbm:s4], s20  }
0x9e: {  	_ =	swait.ge [sflag:s22], s20  }
0x9f: {  	s3 =	ssub.s32 $0x0, s20;
	[sflag:s22] =	ssyncset.done $0x0  }
0xa0: {  	[sflag:s22] =	ssyncadd.s32 s3;
	_ =	sdelay $0x1  }
0xa1: {  	s23 =	simm.s32 $0x1B8B  }
0xa2: {  	_ =	swait.ge [sflag:s23], $0x1  }
0xa3: {  	[sflag:s23] =	ssyncset.done $0x0  }
0xa4: {  	s25 =	simm.s32 $0x1B8E;
	s24 =	sld [smem:$0x3FFE];
	[sflag:s23] =	ssyncadd.s32 $0xFFFFFFFF  }
0xa5: {  	s26 =	simm.s32 $execute0_lowered;
	[smem:$0x3FD2] =	sst s25  }
0xa6: {  	s4 =	sshll.u32 s26, $0x1;
	_ =	strace $0x80000046;
	[dreg:$0x1] =	wrdreg $0xFFFFFFFF  }
0xa7: {  	s28 =	simm.s32 $_size_execute0_lowered;
	s2 =	sadd.s32 s2, s4;
	[dreg:$0x0] =	wrdreg $0x0  }
0xa8: {  	s4 =	sshll.u32 s28, $0x1;
	[dreg:$0x2] =	wrdreg s2  }
0xa9: {  	[dreg:$0x3] =	wrdreg s4  }
0xaa: {  	[dreg:$0x4] =	wrdreg $0xC0  }
0xab: {  	_ =	task [dreg:s6], $0x5FFFF  }
0xac: {  	[dreg:$0x1] =	wrdreg $0xFFFFFFFF  }
0xad: {  	[dreg:$0x0] =	wrdreg $0x60  }
0xae: {  	[dreg:$0x2] =	wrdreg s24  }
0xaf: {  	[dreg:$0x3] =	wrdreg $0x90800  }
0xb0: {  	[dreg:$0x4] =	wrdreg $0x1D0800  }
0xb1: {  	[dreg:$0x5] =	wrdreg $0x9  }
0xb2: {  	_ =	task.clear_ibuf [dreg:s6], $0x6FFFF;
	_ =	strace $0x90000046  }
0xb3: {  	s29 =	simm.s32 $0x9;
	_ =	strace $0x80000048  }
0xb4: {  	_ =	swait.ge [sflag:s29], $0x1  }
0xb5: {  	[sflag:s29] =	ssyncadd.s32 $0xFFFFFFFF  }
0xb6: {  	_ =	strace $0x90000048  }
0xb7: {  	_ =	sfence  }
0xb8: {  	s30 =	sld [smem:$0x0];
	_ =	sdelay $0x2  }
0xb9: {  	s31 =	sshll.u32 s1, $0xD;
	s1 =	sshrl.u32 s1, $0x2  }
0xba: {  	s3 =	sand.u32 $0x4000, s31;
	s1 =	sadd.s32 s1, s30  }
0xbb: {  	s0 =	sor.u32 s3, s0;
	s1 =	sshll.u32 s1, $0x11  }
0xbc: {  	s0 =	sor.u32 s1, s0  }
0xbd: {  	s0 =	sadd.s32 $0x8F2B, s0  }
0xbe: {  	[sflag:s0] =	ssyncadd.remote.s32 $0x1  }
0xbf: {  	_ =	sfence.sel $0xFFFF  }
0xc0: {  	[dreg:$0x0] =	wrdreg $0xFFFFFFFF;
	(pc) =	sbr.abs _section_cstart, $3  }
0xc1: {  	[dreg:$0x1] =	wrdreg $0xFFFFFFFF  }
0xc2: {  	_ =	task.clear_ibuf [dreg:s6], $0x2FFFF;
	_ =	strace $0x9FFFFFFF  }
0xc3: {  	(tm) =	ssettm $0x7FFFFFFF  }
tec
execute0_lowered:
.L_overlay_start_1:
0x0: {  	(tag) =	ssettag $0x1  }
0x1: {  	s7 =	rddreg [dreg:$0x0]  }
0x2: {  	s2 =	rddreg [dreg:$0x1]  }
0x3: {  	s0 =	srdreg.scid;
	s3 =	rddreg [dreg:$0x2];
	s4 =	simm.s32 $0x0  }
0x4: {  	s18 =	simm.s32 $0x80;
	s6 =	sand.u32 $0x1, s0;
	s0 =	stileid.u32  }
0x5: {  	s19 =	simm.s32 $0x5000;
	s20 =	simm.s32 $0x9000;
	s9 =	smul.u32 $0x280, s0  }
0x6: {  	s21 =	simm.s32 $0x0;
	[smem:$0x7FF] =	sst s4;
	s10 =	smul.u32 $0x2800, s6  }
0x7: {  	s5 =	sadd.s32 $0x17600, s7;
	s1 =	sshll.u32 s6, $0x4;
	s11 =	smul.u32 $0x2800, s0  }
0x8: {  	s6 =	ssub.s32 $0x2, s6;
	s14 =	smul.u32 $0x50000, s0;
	s1 =	sor.u32 s0, s1  }
0x9: {  	s31 =	sshll.u32 s0, $0x6;
	s29 =	sshrl.u32 s6, $0x1;
	s8 =	smul.u32 $0x500, s1  }
0xa: {  	s1 =	rddreg [dreg:$0x3];
	_ =	strace $0x80000047;
	s28 =	sshrl.u32 s9, $0x3  }
0xb: {  	s10 =	sadd.s32 s9, s10;
	s11 =	sadd.s32 s11, s7;
	s16 =	ssub.s32 s6, s29  }
0xc: {  	s30 =	sshrl.u32 s14, $0x2;
	s17 =	sadd.s32 s9, s3;
	s13 =	sshll.u32 s10, $0x4  }
0xd: {  	s10 =	sshrl.u32 s10, $0x3;
	s14 =	sadd.s32 s30, s2;
	s6 =	sadd.s32 $0x3F600, s11  }
0xe: {  	s12 =	sadd.s32 s8, s7;
	s8 =	sadd.s32 s28, s7;
	s13 =	sadd.s32 s13, s7  }
0xf: {  	s15 =	sadd.s32 s10, s7;
	s7 =	sor.u32 $0x1C01, s31;
	s14 =	sshrl.u32 s14, $0x3  }
0x10: {  	s8 =	sadd.s32 $0x67600, s8;
	s9 =	sadd.s32 $0xD600, s12;
	s10 =	sadd.s32 $0x3600, s12  }
0x11: {  	s11 =	sadd.s32 $0x68600, s13;
	s12 =	sadd.s32 $0x67C00, s15;
	s13 =	smax.u32 s16, $0x1  }
0x12: {  	v0 =	vimm.f32 $1.000000000e+00;
	s15 =	simm.s32 $0x1;
	s16 =	sshrl.u32 s17, $0x3;
	s17 =	simm.s32 $0x2800  }
.LBB2_1:
0x13: {  	[spmem:s14], [sflag:s7] =	dma.local [hbm:s6], $0x2800  }
0x14: {  	_ =	swait.ge [sflag:s15], $0x2800  }
0x15: {  	[sflag:s15] =	ssyncset.done $0x0  }
0x16: {  	[sflag:s15] =	ssyncadd.s32 $0xFFFFD800  }
0x17: {  	[spmem:s16], [sflag:s7] =	dma.local [hbm:s8], $0x50  }
0x18: {  	_ =	swait.ge [sflag:s15], $0x50  }
0x19: {  	[sflag:s15] =	ssyncset.done $0x0  }
0x1a: {  	[sflag:s15] =	ssyncadd.s32 $0xFFFFFFB0  }
0x1b: {  	[tilespmem:$0x9000] =	vst v0  }
0x1c: {  	[tilespmem:$0x9010] =	vst v0  }
0x1d: {  	[tilespmem:$0x9020] =	vst v0  }
0x1e: {  	[tilespmem:$0x9030] =	vst v0  }
0x1f: {  	[tilespmem:$0x9040] =	vst v0  }
0x20: {  	[tilespmem:$0x9050] =	vst v0  }
0x21: {  	[tilespmem:$0x9060] =	vst v0  }
0x22: {  	[tilespmem:$0x9070] =	vst v0  }
0x23: {  	[tilespmem:s4], [sflag:$0x1] =	stream.linear.gather [hbm4b:s9+s4], $0x2800, $0x38;
	[tilespmem:$0x1D300] =	vst v63  }
0x24: {  	_ =	swait.ge [sflag:s15], $0x2800  }
0x25: {  	[sflag:s15] =	ssyncset.done $0x0  }
0x26: {  	[sflag:s15] =	ssyncadd.s32 $0xFFFFD800  }
0x27: {  	[tilespmem:s17], [sflag:$0x1] =	stream.linear.gather [hbm4b:s10+s4], $0x2800, $0x38;
	[tilespmem:$0x1D300] =	vst v63  }
0x28: {  	_ =	swait.ge [sflag:s15], $0x2800  }
0x29: {  	[sflag:s15] =	ssyncset.done $0x0  }
0x2a: {  	[sflag:s15] =	ssyncadd.s32 $0xFFFFD800  }
0x2b: {  	s22 =	simm.s32 $0x0;
	[bflag:$0x0] =	sbarrier.arrive $0xFFFF  }
0x2c: {  	[tilespmem:s19], [sflag:$0x1] =	stream.indirect.gather [hbm4b:s5+s18], $0x80, s22, s18, $0xb8;
	[tilespmem:$0x1D300] =	vst v63  }
0x2d: {  	_ =	swait.ge [sflag:s15], $0x4000  }
0x2e: {  	[sflag:s15] =	ssyncset.done $0x0  }
0x2f: {  	s31 =	simm.s32 $0x2800;
	[sflag:s15] =	ssyncadd.s32 $0xFFFFC000  }
0x30: {  	[spmem:s2] =	stream.indirect.scatter.add.f32 [tilespmem:s19], [sflag:$0x1], $0x80, s31, s18, $0xb8;
	[tilespmem:$0x1D300] =	vst v63  }
0x31: {  	_ =	swait.ge [sflag:s15], $0x4000  }
0x32: {  	[sflag:s15] =	ssyncset.done $0x0  }
0x33: {  	[sflag:s15] =	ssyncadd.s32 $0xFFFFC000  }
0x34: {  	[spmem:s3] =	stream.indirect.scatter.add.f32 [tilespmem:s20], [sflag:$0x1], $0x1, s31, s18, $0xb8;
	[tilespmem:$0x1D300] =	vst v63  }
0x35: {  	_ =	swait.ge [sflag:s15], $0x80  }
0x36: {  	s23 =	simm.s32 $0x400;
	s22 =	simm.s32 $0x200;
	[sflag:s15] =	ssyncset.done $0x0  }
.LBB2_2:
0x37: {  	s24 =	sshra.s32 s22, $0x2  }
0x38: {  	[sflag:s15] =	ssyncadd.s32 $0xFFFFFF80;
	s22 =	smov.u32 s23;
	s25 =	sadd.s32 $0x200, s23  }
0x39: {  	[tilespmem:s19], [sflag:$0x1] =	stream.indirect.gather [hbm4b:s5+s18], $0x80, s24, s18, $0xb8;
	[tilespmem:$0x1D300] =	vst v63  }
0x3a: {  	p0 =	sne.s32 s23, $0x9E00;
	_ =	swait.ge [sflag:s15], $0x4000  }
0x3b: {  	[sflag:s15] =	ssyncset.done $0x0  }
0x3c: {  	s23 =	sadd.s32 $0x2800, s24;
	[sflag:s15] =	ssyncadd.s32 $0xFFFFC000  }
0x3d: {  	[spmem:s2] =	stream.indirect.scatter.add.f32 [tilespmem:s19], [sflag:$0x1], $0x80, s23, s18, $0xb8;
	[tilespmem:$0x1D300] =	vst v63  }
0x3e: {  	_ =	swait.ge [sflag:s15], $0x4000  }
.Ltmp0:
0x3f: {  	[sflag:s15] =	ssyncset.done $0x0;
	(pc) =	sbr.rel @p0 .LBB2_2-.Ltmp0, $4  }
0x40: {  	[sflag:s15] =	ssyncadd.s32 $0xFFFFC000  }
0x41: {  	[spmem:s3] =	stream.indirect.scatter.add.f32 [tilespmem:s20], [sflag:$0x1], $0x1, s23, s18, $0xb8;
	[tilespmem:$0x1D300] =	vst v63  }
0x42: {  	_ =	swait.ge [sflag:s15], $0x80  }
0x43: {  	s23 =	smov.u32 s25;
	[sflag:s15] =	ssyncset.done $0x0  }
0x44: {  	s22 =	sshra.s32 s22, $0x2;
	[sflag:s15] =	ssyncadd.s32 $0xFFFFFF80  }
0x45: {  	[tilespmem:s19], [sflag:$0x1] =	stream.indirect.gather [hbm4b:s5+s18], $0x80, s22, s18, $0xb8;
	[tilespmem:$0x1D300] =	vst v63  }
0x46: {  	_ =	swait.ge [sflag:s15], $0x4000  }
0x47: {  	[sflag:s15] =	ssyncset.done $0x0  }
0x48: {  	s22 =	sadd.s32 $0x2800, s22;
	[sflag:s15] =	ssyncadd.s32 $0xFFFFC000  }
0x49: {  	[spmem:s2] =	stream.indirect.scatter.add.f32 [tilespmem:s19], [sflag:$0x1], $0x80, s22, s18, $0xb8;
	[tilespmem:$0x1D300] =	vst v63  }
0x4a: {  	_ =	swait.ge [sflag:s15], $0x4000  }
0x4b: {  	[sflag:s15] =	ssyncset.done $0x0  }
0x4c: {  	[sflag:s15] =	ssyncadd.s32 $0xFFFFC000  }
0x4d: {  	[spmem:s3] =	stream.indirect.scatter.add.f32 [tilespmem:s20], [sflag:$0x1], $0x1, s22, s18, $0xb8;
	[tilespmem:$0x1D300] =	vst v63  }
0x4e: {  	_ =	swait.ge [sflag:s15], $0x80  }
0x4f: {  	[sflag:s15] =	ssyncset.done $0x0  }
0x50: {  	[sflag:s15] =	ssyncadd.s32 $0xFFFFFF80  }
0x51: {  	[bflag:$0x0] =	sbarrier.arrive $0xFFFF  }
0x52: {  	[hbm:s11], [sflag:s7] =	dma.local [spmem:s14], $0x2800  }
0x53: {  	s21 =	sadd.s32 $0x1, s21;
	_ =	swait.ge [sflag:s15], $0x2800  }
0x54: {  	p0 =	sne.s32 s21, s13;
	[sflag:s15] =	ssyncset.done $0x0  }
.Ltmp1:
0x55: {  	[sflag:s15] =	ssyncadd.s32 $0xFFFFD800;
	(pc) =	sbr.rel @p0 .LBB2_1-.Ltmp1, $4  }
0x56: {  	[hbm:s12], [sflag:s7] =	dma.local [spmem:s16], $0x50  }
0x57: {  	_ =	swait.ge [sflag:s15], $0x50  }
0x58: {  	[sflag:s15] =	ssyncset.done $0x0  }
0x59: {  	[sflag:s15] =	ssyncadd.s32 $0xFFFFFFB0  }
0x5a: {  	_ =	sfence.sel $0x180000  }
0x5b: {  	[bflag:$0x0] =	sbarrier.arrive $0xFFFF  }
0x5c: {  	p0 =	sne.s32 s0, $0x0;
	_ =	strace $0x90000047  }
0x5d: {  	s0 =	sadd.s32 @!p0 $0x100000, s1;
	[bflag:$0x2] =	sbarrier.arrive $0xFFFF  }
0x5e: {  	[sflag:s0] =	ssyncadd.tile.s32 @!p0 $0x1;
	_ =	shalt  }
.Lfunc_end2:
_tile_overlayer_lowered:
.L_overlay_start_2:
0x5f: {  	(tag) =	ssettag $0x2  }
0x60: {  	s0 =	rddreg [dreg:$0x0];
	s2 =	stileid.u32  }
0x61: {  	s1 =	rddreg [dreg:$0x1];
	p0 =	sne.s32 s2, $0x0  }
0x62: {  	s3 =	rddreg [dreg:$0x2];
	[bflag:$0x3] =	sbarrier.arrive $0xFFFF;
	s2 =	simm.s32 @!p0 $0x1C01  }
0x63: {  	[timem:s3], [sflag:s2] =	dma.local @!p0 [hbm:s0], s1  }
0x64: {  	s0 =	simm.s32 @!p0 $0x1  }
0x65: {  	_ =	swait.ge @!p0 [sflag:s0], s1  }
0x66: {  	s1 =	ssub.s32 @!p0 $0x0, s1;
	[sflag:s0] =	ssyncset.done @!p0 $0x0  }
0x67: {  	[sflag:s0] =	ssyncadd.s32 @!p0 s1  }
0x68: {  	[bflag:$0x3] =	sbarrier.arrive $0xFFFF  }
0x69: {  	_ =	shalt  }

</sc_bundles>
